<compile_context>
chip_gen: v7x
topology: tpu7x:2x2x1
jax: 0.10.2.dev20260603
libtpu: 0.0.44.dev20260713+nightly
codegen_flags: <defaults>
</compile_context>

<pallas_src>
import functools

import jax
import jax.numpy as jnp
from jax import lax
from jax.experimental import pallas as pl
from jax.experimental.pallas import tpu as pltpu
from jax.experimental.pallas import tpu_sc as plsc

S = 2048
D = 768
E = 8
H = 3072
EPS = 1e-6
N_TOT = float(S * E)

GRID_L = 2
S_BLK = S // GRID_L
GRID_H = 2
H_BLK = H // GRID_H
GRID_Z = 4


def _gate_logits_body(x_ref, wg_ref, bg_ref, out_ref):
    h = jnp.dot(x_ref[...], wg_ref[...], preferred_element_type=jnp.float32)
    out_ref[...] = (h + bg_ref[...][None, :]).T


def _gate_logits(x, w_gate, b_gate_row):
    return pl.pallas_call(
        _gate_logits_body,
        grid=(GRID_L,),
        in_specs=[
            pl.BlockSpec((S_BLK, D), lambda i: (i, 0)),
            pl.BlockSpec((D, E), lambda i: (0, 0)),
            pl.BlockSpec((E,), lambda i: (0,)),
        ],
        out_specs=pl.BlockSpec((E, S_BLK), lambda i: (0, i)),
        out_shape=jax.ShapeDtypeStruct((E, S), jnp.float32),
    )(x, w_gate, b_gate_row)


@functools.lru_cache(maxsize=1)
def _make_sc_routing():
    mesh = plsc.VectorSubcoreMesh(core_axis_name="c", subcore_axis_name="s", num_cores=1)
    return functools.partial(
        pl.kernel,
        out_type=(
            jax.ShapeDtypeStruct((16,), jnp.float32),
            jax.ShapeDtypeStruct((16,), jnp.float32),
        ),
        mesh=mesh,
        scratch_types=[
            pltpu.VMEM((E, S), jnp.float32),
            pltpu.VMEM((16,), jnp.float32),
            pltpu.VMEM((16,), jnp.float32),
        ],
    )(_sc_routing_body)


def _sc_routing_body(logits_hbm, gate_hbm, loss_hbm, lg_v, gout_v, loss_v):
    cid = lax.axis_index("c")
    sid = lax.axis_index("s")

    @pl.when((cid == 0) & (sid == 0))
    def _():
        pltpu.sync_copy(logits_hbm, lg_v)

        def body(i, cnts):
            off = i * 16
            vs = [lg_v[e, pl.ds(off, 16)] for e in range(E)]
            mx = vs[0]
            for e in range(1, E):
                mx = jnp.maximum(mx, vs[e])
            return tuple(
                cnts[e] + jnp.where(vs[e] >= mx, 1.0, 0.0) for e in range(E)
            )

        init = tuple(jnp.zeros((16,), jnp.float32) for _ in range(E))
        cnts = lax.fori_loop(0, S // 16, body, init)

        lane = lax.iota(jnp.int32, 16)
        member = jnp.zeros((16,), jnp.float32)
        for e in range(E):
            tot = cnts[e][0]
            for l in range(1, 16):
                tot = tot + cnts[e][l]
            flag = jnp.where(tot > 0.0, 1.0, 0.0)
            member = member + jnp.where(lane == e, flag, 0.0)

        v0 = [lg_v[e, pl.ds(0, 16)] for e in range(E)]
        mx = v0[0]
        for e in range(1, E):
            mx = jnp.maximum(mx, v0[e])
        den = jnp.zeros((16,), jnp.float32)
        for e in range(E):
            den = den + jnp.exp(v0[e] - mx)
        g = jnp.exp(v0[0] - mx) / den

        masked = member * g
        gate = masked / (masked + EPS)
        gate = jnp.where(lane < E, gate, 0.0)

        gout_v[...] = gate
        sv = jnp.float32(0.0)
        sv2 = jnp.float32(0.0)
        m = jnp.float32(0.0)
        for s in range(E):
            gs = gate[s]
            sv = sv + gs
            sv2 = sv2 + gs * gs
            m = m + jnp.where(gs > 0.0, 1.0, 0.0)
        inv_n = 1.0 / N_TOT
        inv_n1 = 1.0 / (N_TOT - 1.0)
        sv_v = jnp.broadcast_to(sv, (16,))
        sv2_v = jnp.broadcast_to(sv2, (16,))
        m_v = jnp.broadcast_to(m, (16,))
        mean_i = sv_v * inv_n
        var_i = (sv2_v - sv_v * sv_v * inv_n) * inv_n1
        loss_i = var_i / (mean_i * mean_i + 1e-10)
        mean_l = m_v * inv_n
        var_l = (m_v - m_v * m_v * inv_n) * inv_n1
        loss_l = var_l / (mean_l * mean_l + 1e-10)

        loss_v[...] = loss_i + loss_l
        pltpu.sync_copy(gout_v, gate_hbm)
        pltpu.sync_copy(loss_v, loss_hbm)


def _ffn_body(x_ref, w1_ref, b1_ref, w2_ref, b2_ref, y8_ref, outz_ref):
    i = pl.program_id(0)
    h = jnp.dot(x_ref[...], w1_ref[0], preferred_element_type=jnp.float32)
    h = jax.nn.gelu(h + b1_ref[0:1])
    part = jnp.dot(h, w2_ref[0], preferred_element_type=jnp.float32)

    @pl.when(i == 0)
    def _():
        y8_ref[...] = part

    @pl.when(i > 0)
    def _():
        y8_ref[...] += part

    @pl.when(i == GRID_H - 1)
    def _():
        y8_ref[...] += b2_ref[0:1]

    outz_ref[...] = jnp.zeros((1, S // GRID_H, D), jnp.float32)


def _ffn(x, W1, b1, W2, b2):
    return pl.pallas_call(
        _ffn_body,
        grid=(GRID_H,),
        in_specs=[
            pl.BlockSpec((E, D), lambda i: (0, 0)),
            pl.BlockSpec((1, D, H_BLK), lambda i: (0, 0, i)),
            pl.BlockSpec((E, H_BLK), lambda i: (0, i)),
            pl.BlockSpec((1, H_BLK, D), lambda i: (0, i, 0)),
            pl.BlockSpec((E, D), lambda i: (0, 0)),
        ],
        out_specs=[
            pl.BlockSpec((E, D), lambda i: (0, 0)),
            pl.BlockSpec((1, S // GRID_H, D), lambda i: (0, i, 0)),
        ],
        out_shape=[
            jax.ShapeDtypeStruct((E, D), jnp.float32),
            jax.ShapeDtypeStruct((1, S, D), jnp.float32),
        ],
    )(x, W1, b1, W2, b2)


def _finalize_body(outz_ref, y8_ref, g16_ref, out_ref):
    del outz_ref
    g = g16_ref[...][0:E]
    out_ref[...] = (y8_ref[...] * g[:, None])[None]


def _finalize(outz, y8, g16):
    return pl.pallas_call(
        _finalize_body,
        grid=(1,),
        in_specs=[
            pl.BlockSpec(memory_space=pl.ANY),
            pl.BlockSpec((E, D), lambda i: (0, 0)),
            pl.BlockSpec((16,), lambda i: (0,)),
        ],
        out_specs=pl.BlockSpec((1, E, D), lambda i: (0, 0, 0)),
        out_shape=jax.ShapeDtypeStruct((1, S, D), jnp.float32),
        input_output_aliases={0: 0},
    )(outz, y8, g16)


def kernel(x, w_gate, b_gate, W1, b1, W2, b2):
    x2 = x.reshape(S, D)
    logits_t = _gate_logits(x2, w_gate, b_gate)
    gate16, loss16 = _make_sc_routing()(logits_t)
    y8, outz = _ffn(x2, W1, b1, W2, b2)
    out = _finalize(outz, y8, gate16)
    return out, loss16[0]

# --- scband reference (transcript-rebuilt; emitter-appended) ---
"""Pipeline reference for scband-m2o-e-61478161875320 (READ-ONLY COPY).

The authoritative reference and input builder live on the scoring server;
editing this copy changes nothing except your own understanding.
"""

import jax, jax.numpy as jnp
import numpy as np

DIM = 768
MULT = 4
E = 8
EPS = 1e-06
CAPACITY_FACTOR = 1.0


def setup_inputs(seed: int = 0) -> dict:
    key = jax.random.key(seed)
    ks = jax.random.split(key, 8)
    B, S = 1, 2048
    x = jax.random.normal(ks[0], (B, S, DIM), dtype=jnp.float32)
    w_gate = jax.random.normal(ks[1], (DIM, E), dtype=jnp.float32) * (1.0 / np.sqrt(DIM))
    b_gate = jnp.zeros((E,), dtype=jnp.float32)
    W1 = jax.random.normal(ks[2], (E, DIM, DIM * MULT), dtype=jnp.float32) * (1.0 / np.sqrt(DIM))
    b1 = jnp.zeros((E, DIM * MULT), dtype=jnp.float32)
    W2 = jax.random.normal(ks[3], (E, DIM * MULT, DIM), dtype=jnp.float32) * (1.0 / np.sqrt(DIM * MULT))
    b2 = jnp.zeros((E, DIM), dtype=jnp.float32)
    return {"x": x, "w_gate": w_gate, "b_gate": b_gate, "W1": W1, "b1": b1, "W2": W2, "b2": b2}


def _cv_squared(v):
    eps = 1e-10
    vf = v.astype(jnp.float32)
    if v.shape[0] == 1:
        return jnp.zeros((), dtype=jnp.float32)
    return jnp.var(vf, ddof=1) / (jnp.mean(vf) ** 2 + eps)


def _switch_gate(x, w_gate, b_gate):
    # x: [B, S, D]; faithful to SwitchGate.forward (including scatter along dim=1
    # as in the original torch code: mask.scatter_(1, top_k_indices, 1))
    B, S, _ = x.shape
    gate_scores = jax.nn.softmax(x @ w_gate + b_gate, axis=-1)  # [B, S, E]
    capacity = int(CAPACITY_FACTOR * B)
    top_k_scores, top_k_indices = jax.lax.top_k(gate_scores, 1)  # [B, S, 1]
    mask = jnp.zeros_like(gate_scores)
    b_idx = jnp.arange(B)[:, None, None]
    k_idx = jnp.arange(1)[None, None, :]
    # torch scatter_ dim=1 semantics: mask[b, index[b, s, k], k] = 1
    mask = mask.at[b_idx, top_k_indices, k_idx].set(1.0)
    masked_gate_scores = gate_scores * mask
    denominators = masked_gate_scores.sum(0, keepdims=True) + EPS
    gate_scores_out = masked_gate_scores / denominators * capacity
    importance = gate_scores_out.sum(0)
    load = (gate_scores_out > 0).sum(0).astype(jnp.float32)
    loss = _cv_squared(importance) + _cv_squared(load)
    return gate_scores_out, loss


def _experts(x, W1, b1, W2, b2):
    # x: [B, S, D]; W1: [E, D, H]; W2: [E, H, D]
    h = jnp.einsum('bsd,edh->besh', x, W1) + b1[None, :, None, :]
    h = jax.nn.gelu(h)
    out = jnp.einsum('besh,ehd->besd', h, W2) + b2[None, :, None, :]
    # stack experts on last dim like torch.stack(expert_outputs, dim=-1)
    return jnp.moveaxis(out, 1, -1)  # [B, S, D, E]


def reference(x, w_gate, b_gate, W1, b1, W2, b2):
    gate_scores, loss = _switch_gate(x, w_gate, b_gate)
    stacked_expert_outputs = _experts(x, W1, b1, W2, b2)  # [B, S, D, E]
    moe_output = jnp.sum(gate_scores[:, :, None, :] * stacked_expert_outputs, axis=-1)
    return (moe_output, loss)

if __name__ == "__main__":
    import jax
    _d = setup_inputs()
    print(jax.jit(kernel)(*tuple(_d.values())))

</pallas_src>

<mosaic_0001>
#map = affine_map<(d0, d1) -> (0, 0)>
#map1 = affine_map<(d0, d1) -> (0)>
module attributes {stable_mosaic.version = 14 : i64} {
  func.func @_sc_routing_body(%arg0: i32, %arg1: i32, %arg2: memref<8x2048xf32, #tpu.memory_space<hbm>>, %arg3: memref<16xf32, #tpu.memory_space<hbm>>, %arg4: memref<16xf32, #tpu.memory_space<hbm>>, %arg5: memref<8x2048xf32, #tpu.memory_space<vmem>>, %arg6: memref<16xf32, #tpu.memory_space<vmem>>, %arg7: memref<16xf32, #tpu.memory_space<vmem>>) attributes {dimension_semantics = [#tpu.dimension_semantics<core_parallel>, #tpu.dimension_semantics<subcore_parallel>], iteration_bounds = array<i64: 1, 16>, scalar_prefetch = 0 : i64, scratch_operands = 3 : i64, tpu.core_type = #tpu.core_type<sc_vector_subcore>, window_params = [{transform_indices = #map}, {transform_indices = #map1}, {transform_indices = #map1}]} {
    %eq3A = arith.constant 0 : i32
    %eq3A_0 = arith.cmpi eq, %arg0, %eq3A : i32
    %eq3A_1 = arith.constant 0 : i32
    %eq3A_2 = arith.cmpi eq, %arg1, %eq3A_1 : i32
    %and3A = arith.andi %eq3A_0, %eq3A_2 : i1
    %convert_element_type3A = arith.extui %and3A : i1 to i32
    %cond3A = arith.constant 0 : i32
    %cond3A_3 = arith.cmpi ne, %convert_element_type3A, %cond3A : i32
    scf.if %cond3A_3 {
      "tpu.region"() ({
        %run_scoped3A = tpu.sem_alloc : memref<!tpu.dma_semaphore, #tpu.memory_space<semaphore_mem>>
        tpu.enqueue_dma source(%arg2 : memref<8x2048xf32, #tpu.memory_space<hbm>>) target(%arg5 : memref<8x2048xf32, #tpu.memory_space<vmem>>) target_semaphore(%run_scoped3A : memref<!tpu.dma_semaphore, #tpu.memory_space<semaphore_mem>>)
        tpu.wait_dma2 semaphore(%run_scoped3A : memref<!tpu.dma_semaphore, #tpu.memory_space<semaphore_mem>>) src(%arg2 : memref<8x2048xf32, #tpu.memory_space<hbm>>) dst(%arg5 : memref<8x2048xf32, #tpu.memory_space<vmem>>)
        tpu.yield
      }) : () -> ()
      %broadcast_in_dim3A = arith.constant 0.000000e+00 : f32
      %broadcast_in_dim3A_4 = vector.broadcast %broadcast_in_dim3A : f32 to vector<16xf32>
      %broadcast_in_dim3A_5 = arith.constant 0.000000e+00 : f32
      %broadcast_in_dim3A_6 = vector.broadcast %broadcast_in_dim3A_5 : f32 to vector<16xf32>
      %broadcast_in_dim3A_7 = arith.constant 0.000000e+00 : f32
      %broadcast_in_dim3A_8 = vector.broadcast %broadcast_in_dim3A_7 : f32 to vector<16xf32>
      %broadcast_in_dim3A_9 = arith.constant 0.000000e+00 : f32
      %broadcast_in_dim3A_10 = vector.broadcast %broadcast_in_dim3A_9 : f32 to vector<16xf32>
      %broadcast_in_dim3A_11 = arith.constant 0.000000e+00 : f32
      %broadcast_in_dim3A_12 = vector.broadcast %broadcast_in_dim3A_11 : f32 to vector<16xf32>
      %broadcast_in_dim3A_13 = arith.constant 0.000000e+00 : f32
      %broadcast_in_dim3A_14 = vector.broadcast %broadcast_in_dim3A_13 : f32 to vector<16xf32>
      %broadcast_in_dim3A_15 = arith.constant 0.000000e+00 : f32
      %broadcast_in_dim3A_16 = vector.broadcast %broadcast_in_dim3A_15 : f32 to vector<16xf32>
      %broadcast_in_dim3A_17 = arith.constant 0.000000e+00 : f32
      %broadcast_in_dim3A_18 = vector.broadcast %broadcast_in_dim3A_17 : f32 to vector<16xf32>
      %scan3A = arith.constant 0 : i32
      %scan3A_19 = arith.constant 128 : i32
      %scan3A_20 = arith.addi %scan3A, %scan3A_19 : i32
      %scan3A_21 = arith.constant 1 : i32
      %scan3A_22:8 = scf.for %scan3A_714 = %scan3A to %scan3A_20 step %scan3A_21 iter_args(%scan3A_715 = %broadcast_in_dim3A_4, %scan3A_716 = %broadcast_in_dim3A_6, %scan3A_717 = %broadcast_in_dim3A_8, %scan3A_718 = %broadcast_in_dim3A_10, %scan3A_719 = %broadcast_in_dim3A_12, %scan3A_720 = %broadcast_in_dim3A_14, %scan3A_721 = %broadcast_in_dim3A_16, %scan3A_722 = %broadcast_in_dim3A_18) -> (vector<16xf32>, vector<16xf32>, vector<16xf32>, vector<16xf32>, vector<16xf32>, vector<16xf32>, vector<16xf32>, vector<16xf32>)  : i32 {
        %mul3A_723 = arith.constant 16 : i32
        %mul3A_724 = arith.muli %scan3A_714, %mul3A_723 : i32
        %get3A_725 = arith.constant 0 : i32
        %get3A_726 = arith.index_cast %get3A_725 : i32 to index
        %get3A_727 = arith.index_cast %mul3A_724 : i32 to index
        %get3A_728 = tpu.vector_load %arg5[%get3A_726, %get3A_727] {strides = array<i32>} : memref<8x2048xf32, #tpu.memory_space<vmem>>, vector<1x16xf32>,
        %get3A_729 = vector.shape_cast %get3A_728 : vector<1x16xf32> to vector<16xf32>
        %get3A_730 = arith.constant 1 : i32
        %get3A_731 = arith.index_cast %get3A_730 : i32 to index
        %get3A_732 = arith.index_cast %mul3A_724 : i32 to index
        %get3A_733 = tpu.vector_load %arg5[%get3A_731, %get3A_732] {strides = array<i32>} : memref<8x2048xf32, #tpu.memory_space<vmem>>, vector<1x16xf32>,
        %get3A_734 = vector.shape_cast %get3A_733 : vector<1x16xf32> to vector<16xf32>
        %get3A_735 = arith.constant 2 : i32
        %get3A_736 = arith.index_cast %get3A_735 : i32 to index
        %get3A_737 = arith.index_cast %mul3A_724 : i32 to index
        %get3A_738 = tpu.vector_load %arg5[%get3A_736, %get3A_737] {strides = array<i32>} : memref<8x2048xf32, #tpu.memory_space<vmem>>, vector<1x16xf32>,
        %get3A_739 = vector.shape_cast %get3A_738 : vector<1x16xf32> to vector<16xf32>
        %get3A_740 = arith.constant 3 : i32
        %get3A_741 = arith.index_cast %get3A_740 : i32 to index
        %get3A_742 = arith.index_cast %mul3A_724 : i32 to index
        %get3A_743 = tpu.vector_load %arg5[%get3A_741, %get3A_742] {strides = array<i32>} : memref<8x2048xf32, #tpu.memory_space<vmem>>, vector<1x16xf32>,
        %get3A_744 = vector.shape_cast %get3A_743 : vector<1x16xf32> to vector<16xf32>
        %get3A_745 = arith.constant 4 : i32
        %get3A_746 = arith.index_cast %get3A_745 : i32 to index
        %get3A_747 = arith.index_cast %mul3A_724 : i32 to index
        %get3A_748 = tpu.vector_load %arg5[%get3A_746, %get3A_747] {strides = array<i32>} : memref<8x2048xf32, #tpu.memory_space<vmem>>, vector<1x16xf32>,
        %get3A_749 = vector.shape_cast %get3A_748 : vector<1x16xf32> to vector<16xf32>
        %get3A_750 = arith.constant 5 : i32
        %get3A_751 = arith.index_cast %get3A_750 : i32 to index
        %get3A_752 = arith.index_cast %mul3A_724 : i32 to index
        %get3A_753 = tpu.vector_load %arg5[%get3A_751, %get3A_752] {strides = array<i32>} : memref<8x2048xf32, #tpu.memory_space<vmem>>, vector<1x16xf32>,
        %get3A_754 = vector.shape_cast %get3A_753 : vector<1x16xf32> to vector<16xf32>
        %get3A_755 = arith.constant 6 : i32
        %get3A_756 = arith.index_cast %get3A_755 : i32 to index
        %get3A_757 = arith.index_cast %mul3A_724 : i32 to index
        %get3A_758 = tpu.vector_load %arg5[%get3A_756, %get3A_757] {strides = array<i32>} : memref<8x2048xf32, #tpu.memory_space<vmem>>, vector<1x16xf32>,
        %get3A_759 = vector.shape_cast %get3A_758 : vector<1x16xf32> to vector<16xf32>
        %get3A_760 = arith.constant 7 : i32
        %get3A_761 = arith.index_cast %get3A_760 : i32 to index
        %get3A_762 = arith.index_cast %mul3A_724 : i32 to index
        %get3A_763 = tpu.vector_load %arg5[%get3A_761, %get3A_762] {strides = array<i32>} : memref<8x2048xf32, #tpu.memory_space<vmem>>, vector<1x16xf32>,
        %get3A_764 = vector.shape_cast %get3A_763 : vector<1x16xf32> to vector<16xf32>
        %max3A_765 = arith.maximumf %get3A_729, %get3A_734 : vector<16xf32>
        %max3A_766 = arith.maximumf %max3A_765, %get3A_739 : vector<16xf32>
        %max3A_767 = arith.maximumf %max3A_766, %get3A_744 : vector<16xf32>
        %max3A_768 = arith.maximumf %max3A_767, %get3A_749 : vector<16xf32>
        %max3A_769 = arith.maximumf %max3A_768, %get3A_754 : vector<16xf32>
        %max3A_770 = arith.maximumf %max3A_769, %get3A_759 : vector<16xf32>
        %max3A_771 = arith.maximumf %max3A_770, %get3A_764 : vector<16xf32>
        %ge3A = arith.cmpf oge, %get3A_729, %max3A_771 : vector<16xf32>
        %jit3A_772 = arith.constant 1.000000e+00 : f32
        %jit3A_773 = arith.constant 0.000000e+00 : f32
        %broadcast_in_dim3A_774 = vector.broadcast %jit3A_772 : f32 to vector<16xf32>
        %broadcast_in_dim3A_775 = vector.broadcast %jit3A_773 : f32 to vector<16xf32>
        %select_n3A_776 = arith.select %ge3A, %broadcast_in_dim3A_774, %broadcast_in_dim3A_775 : vector<16xi1>, vector<16xf32>
        %add3A_777 = arith.addf %scan3A_715, %select_n3A_776 : vector<16xf32>
        %ge3A_778 = arith.cmpf oge, %get3A_734, %max3A_771 : vector<16xf32>
        %jit3A_779 = arith.constant 1.000000e+00 : f32
        %jit3A_780 = arith.constant 0.000000e+00 : f32
        %broadcast_in_dim3A_781 = vector.broadcast %jit3A_779 : f32 to vector<16xf32>
        %broadcast_in_dim3A_782 = vector.broadcast %jit3A_780 : f32 to vector<16xf32>
        %select_n3A_783 = arith.select %ge3A_778, %broadcast_in_dim3A_781, %broadcast_in_dim3A_782 : vector<16xi1>, vector<16xf32>
        %add3A_784 = arith.addf %scan3A_716, %select_n3A_783 : vector<16xf32>
        %ge3A_785 = arith.cmpf oge, %get3A_739, %max3A_771 : vector<16xf32>
        %jit3A_786 = arith.constant 1.000000e+00 : f32
        %jit3A_787 = arith.constant 0.000000e+00 : f32
        %broadcast_in_dim3A_788 = vector.broadcast %jit3A_786 : f32 to vector<16xf32>
        %broadcast_in_dim3A_789 = vector.broadcast %jit3A_787 : f32 to vector<16xf32>
        %select_n3A_790 = arith.select %ge3A_785, %broadcast_in_dim3A_788, %broadcast_in_dim3A_789 : vector<16xi1>, vector<16xf32>
        %add3A_791 = arith.addf %scan3A_717, %select_n3A_790 : vector<16xf32>
        %ge3A_792 = arith.cmpf oge, %get3A_744, %max3A_771 : vector<16xf32>
        %jit3A_793 = arith.constant 1.000000e+00 : f32
        %jit3A_794 = arith.constant 0.000000e+00 : f32
        %broadcast_in_dim3A_795 = vector.broadcast %jit3A_793 : f32 to vector<16xf32>
        %broadcast_in_dim3A_796 = vector.broadcast %jit3A_794 : f32 to vector<16xf32>
        %select_n3A_797 = arith.select %ge3A_792, %broadcast_in_dim3A_795, %broadcast_in_dim3A_796 : vector<16xi1>, vector<16xf32>
        %add3A_798 = arith.addf %scan3A_718, %select_n3A_797 : vector<16xf32>
        %ge3A_799 = arith.cmpf oge, %get3A_749, %max3A_771 : vector<16xf32>
        %jit3A_800 = arith.constant 1.000000e+00 : f32
        %jit3A_801 = arith.constant 0.000000e+00 : f32
        %broadcast_in_dim3A_802 = vector.broadcast %jit3A_800 : f32 to vector<16xf32>
        %broadcast_in_dim3A_803 = vector.broadcast %jit3A_801 : f32 to vector<16xf32>
        %select_n3A_804 = arith.select %ge3A_799, %broadcast_in_dim3A_802, %broadcast_in_dim3A_803 : vector<16xi1>, vector<16xf32>
        %add3A_805 = arith.addf %scan3A_719, %select_n3A_804 : vector<16xf32>
        %ge3A_806 = arith.cmpf oge, %get3A_754, %max3A_771 : vector<16xf32>
        %jit3A_807 = arith.constant 1.000000e+00 : f32
        %jit3A_808 = arith.constant 0.000000e+00 : f32
        %broadcast_in_dim3A_809 = vector.broadcast %jit3A_807 : f32 to vector<16xf32>
        %broadcast_in_dim3A_810 = vector.broadcast %jit3A_808 : f32 to vector<16xf32>
        %select_n3A_811 = arith.select %ge3A_806, %broadcast_in_dim3A_809, %broadcast_in_dim3A_810 : vector<16xi1>, vector<16xf32>
        %add3A_812 = arith.addf %scan3A_720, %select_n3A_811 : vector<16xf32>
        %ge3A_813 = arith.cmpf oge, %get3A_759, %max3A_771 : vector<16xf32>
        %jit3A_814 = arith.constant 1.000000e+00 : f32
        %jit3A_815 = arith.constant 0.000000e+00 : f32
        %broadcast_in_dim3A_816 = vector.broadcast %jit3A_814 : f32 to vector<16xf32>
        %broadcast_in_dim3A_817 = vector.broadcast %jit3A_815 : f32 to vector<16xf32>
        %select_n3A_818 = arith.select %ge3A_813, %broadcast_in_dim3A_816, %broadcast_in_dim3A_817 : vector<16xi1>, vector<16xf32>
        %add3A_819 = arith.addf %scan3A_721, %select_n3A_818 : vector<16xf32>
        %ge3A_820 = arith.cmpf oge, %get3A_764, %max3A_771 : vector<16xf32>
        %jit3A_821 = arith.constant 1.000000e+00 : f32
        %jit3A_822 = arith.constant 0.000000e+00 : f32
        %broadcast_in_dim3A_823 = vector.broadcast %jit3A_821 : f32 to vector<16xf32>
        %broadcast_in_dim3A_824 = vector.broadcast %jit3A_822 : f32 to vector<16xf32>
        %select_n3A_825 = arith.select %ge3A_820, %broadcast_in_dim3A_823, %broadcast_in_dim3A_824 : vector<16xi1>, vector<16xf32>
        %add3A_826 = arith.addf %scan3A_722, %select_n3A_825 : vector<16xf32>
        scf.yield %add3A_777, %add3A_784, %add3A_791, %add3A_798, %add3A_805, %add3A_812, %add3A_819, %add3A_826 : vector<16xf32>, vector<16xf32>, vector<16xf32>, vector<16xf32>, vector<16xf32>, vector<16xf32>, vector<16xf32>, vector<16xf32>
      }
      %scan3A_23 = arith.constant 128 : i32
      %iota3A = tpu.iota {dimensions = array<i32: 0>} : vector<16xi32>
      %broadcast_in_dim3A_24 = arith.constant 0.000000e+00 : f32
      %broadcast_in_dim3A_25 = vector.broadcast %broadcast_in_dim3A_24 : f32 to vector<16xf32>
      %slice3A = vector.extract_strided_slice %scan3A_22#0 {offsets = [0], sizes = [1], strides = [1]} : vector<16xf32> to vector<1xf32>
      %squeeze3A = vector.extract %slice3A[0] : f32 from vector<1xf32>
      %slice3A_26 = vector.extract_strided_slice %scan3A_22#0 {offsets = [1], sizes = [1], strides = [1]} : vector<16xf32> to vector<1xf32>
      %squeeze3A_27 = vector.extract %slice3A_26[0] : f32 from vector<1xf32>
      %add3A = arith.addf %squeeze3A, %squeeze3A_27 : f32
      %slice3A_28 = vector.extract_strided_slice %scan3A_22#0 {offsets = [2], sizes = [1], strides = [1]} : vector<16xf32> to vector<1xf32>
      %squeeze3A_29 = vector.extract %slice3A_28[0] : f32 from vector<1xf32>
      %add3A_30 = arith.addf %add3A, %squeeze3A_29 : f32
      %slice3A_31 = vector.extract_strided_slice %scan3A_22#0 {offsets = [3], sizes = [1], strides = [1]} : vector<16xf32> to vector<1xf32>
      %squeeze3A_32 = vector.extract %slice3A_31[0] : f32 from vector<1xf32>
      %add3A_33 = arith.addf %add3A_30, %squeeze3A_32 : f32
      %slice3A_34 = vector.extract_strided_slice %scan3A_22#0 {offsets = [4], sizes = [1], strides = [1]} : vector<16xf32> to vector<1xf32>
      %squeeze3A_35 = vector.extract %slice3A_34[0] : f32 from vector<1xf32>
      %add3A_36 = arith.addf %add3A_33, %squeeze3A_35 : f32
      %slice3A_37 = vector.extract_strided_slice %scan3A_22#0 {offsets = [5], sizes = [1], strides = [1]} : vector<16xf32> to vector<1xf32>
      %squeeze3A_38 = vector.extract %slice3A_37[0] : f32 from vector<1xf32>
      %add3A_39 = arith.addf %add3A_36, %squeeze3A_38 : f32
      %slice3A_40 = vector.extract_strided_slice %scan3A_22#0 {offsets = [6], sizes = [1], strides = [1]} : vector<16xf32> to vector<1xf32>
      %squeeze3A_41 = vector.extract %slice3A_40[0] : f32 from vector<1xf32>
      %add3A_42 = arith.addf %add3A_39, %squeeze3A_41 : f32
      %slice3A_43 = vector.extract_strided_slice %scan3A_22#0 {offsets = [7], sizes = [1], strides = [1]} : vector<16xf32> to vector<1xf32>
      %squeeze3A_44 = vector.extract %slice3A_43[0] : f32 from vector<1xf32>
      %add3A_45 = arith.addf %add3A_42, %squeeze3A_44 : f32
      %slice3A_46 = vector.extract_strided_slice %scan3A_22#0 {offsets = [8], sizes = [1], strides = [1]} : vector<16xf32> to vector<1xf32>
      %squeeze3A_47 = vector.extract %slice3A_46[0] : f32 from vector<1xf32>
      %add3A_48 = arith.addf %add3A_45, %squeeze3A_47 : f32
      %slice3A_49 = vector.extract_strided_slice %scan3A_22#0 {offsets = [9], sizes = [1], strides = [1]} : vector<16xf32> to vector<1xf32>
      %squeeze3A_50 = vector.extract %slice3A_49[0] : f32 from vector<1xf32>
      %add3A_51 = arith.addf %add3A_48, %squeeze3A_50 : f32
      %slice3A_52 = vector.extract_strided_slice %scan3A_22#0 {offsets = [10], sizes = [1], strides = [1]} : vector<16xf32> to vector<1xf32>
      %squeeze3A_53 = vector.extract %slice3A_52[0] : f32 from vector<1xf32>
      %add3A_54 = arith.addf %add3A_51, %squeeze3A_53 : f32
      %slice3A_55 = vector.extract_strided_slice %scan3A_22#0 {offsets = [11], sizes = [1], strides = [1]} : vector<16xf32> to vector<1xf32>
      %squeeze3A_56 = vector.extract %slice3A_55[0] : f32 from vector<1xf32>
      %add3A_57 = arith.addf %add3A_54, %squeeze3A_56 : f32
      %slice3A_58 = vector.extract_strided_slice %scan3A_22#0 {offsets = [12], sizes = [1], strides = [1]} : vector<16xf32> to vector<1xf32>
      %squeeze3A_59 = vector.extract %slice3A_58[0] : f32 from vector<1xf32>
      %add3A_60 = arith.addf %add3A_57, %squeeze3A_59 : f32
      %slice3A_61 = vector.extract_strided_slice %scan3A_22#0 {offsets = [13], sizes = [1], strides = [1]} : vector<16xf32> to vector<1xf32>
      %squeeze3A_62 = vector.extract %slice3A_61[0] : f32 from vector<1xf32>
      %add3A_63 = arith.addf %add3A_60, %squeeze3A_62 : f32
      %slice3A_64 = vector.extract_strided_slice %scan3A_22#0 {offsets = [14], sizes = [1], strides = [1]} : vector<16xf32> to vector<1xf32>
      %squeeze3A_65 = vector.extract %slice3A_64[0] : f32 from vector<1xf32>
      %add3A_66 = arith.addf %add3A_63, %squeeze3A_65 : f32
      %slice3A_67 = vector.extract_strided_slice %scan3A_22#0 {offsets = [15], sizes = [1], strides = [1]} : vector<16xf32> to vector<1xf32>
      %squeeze3A_68 = vector.extract %slice3A_67[0] : f32 from vector<1xf32>
      %add3A_69 = arith.addf %add3A_66, %squeeze3A_68 : f32
      %gt3A = arith.constant 0.000000e+00 : f32
      %gt3A_70 = arith.cmpf ogt, %add3A_69, %gt3A : f32
      %jit3A = arith.constant 1.000000e+00 : f32
      %jit3A_71 = arith.constant 0.000000e+00 : f32
      %select_n3A = arith.select %gt3A_70, %jit3A, %jit3A_71 : f32
      %eq3A_72 = arith.constant 0 : i32
      %eq3A_73 = vector.broadcast %eq3A_72 : i32 to vector<16xi32>
      %eq3A_74 = arith.cmpi eq, %iota3A, %eq3A_73 : vector<16xi32>
      %jit3A_75 = arith.constant 0.000000e+00 : f32
      %broadcast_in_dim3A_76 = vector.broadcast %select_n3A : f32 to vector<16xf32>
      %broadcast_in_dim3A_77 = vector.broadcast %jit3A_75 : f32 to vector<16xf32>
      %select_n3A_78 = arith.select %eq3A_74, %broadcast_in_dim3A_76, %broadcast_in_dim3A_77 : vector<16xi1>, vector<16xf32>
      %add3A_79 = arith.addf %broadcast_in_dim3A_25, %select_n3A_78 : vector<16xf32>
      %slice3A_80 = vector.extract_strided_slice %scan3A_22#1 {offsets = [0], sizes = [1], strides = [1]} : vector<16xf32> to vector<1xf32>
      %squeeze3A_81 = vector.extract %slice3A_80[0] : f32 from vector<1xf32>
      %slice3A_82 = vector.extract_strided_slice %scan3A_22#1 {offsets = [1], sizes = [1], strides = [1]} : vector<16xf32> to vector<1xf32>
      %squeeze3A_83 = vector.extract %slice3A_82[0] : f32 from vector<1xf32>
      %add3A_84 = arith.addf %squeeze3A_81, %squeeze3A_83 : f32
      %slice3A_85 = vector.extract_strided_slice %scan3A_22#1 {offsets = [2], sizes = [1], strides = [1]} : vector<16xf32> to vector<1xf32>
      %squeeze3A_86 = vector.extract %slice3A_85[0] : f32 from vector<1xf32>
      %add3A_87 = arith.addf %add3A_84, %squeeze3A_86 : f32
      %slice3A_88 = vector.extract_strided_slice %scan3A_22#1 {offsets = [3], sizes = [1], strides = [1]} : vector<16xf32> to vector<1xf32>
      %squeeze3A_89 = vector.extract %slice3A_88[0] : f32 from vector<1xf32>
      %add3A_90 = arith.addf %add3A_87, %squeeze3A_89 : f32
      %slice3A_91 = vector.extract_strided_slice %scan3A_22#1 {offsets = [4], sizes = [1], strides = [1]} : vector<16xf32> to vector<1xf32>
      %squeeze3A_92 = vector.extract %slice3A_91[0] : f32 from vector<1xf32>
      %add3A_93 = arith.addf %add3A_90, %squeeze3A_92 : f32
      %slice3A_94 = vector.extract_strided_slice %scan3A_22#1 {offsets = [5], sizes = [1], strides = [1]} : vector<16xf32> to vector<1xf32>
      %squeeze3A_95 = vector.extract %slice3A_94[0] : f32 from vector<1xf32>
      %add3A_96 = arith.addf %add3A_93, %squeeze3A_95 : f32
      %slice3A_97 = vector.extract_strided_slice %scan3A_22#1 {offsets = [6], sizes = [1], strides = [1]} : vector<16xf32> to vector<1xf32>
      %squeeze3A_98 = vector.extract %slice3A_97[0] : f32 from vector<1xf32>
      %add3A_99 = arith.addf %add3A_96, %squeeze3A_98 : f32
      %slice3A_100 = vector.extract_strided_slice %scan3A_22#1 {offsets = [7], sizes = [1], strides = [1]} : vector<16xf32> to vector<1xf32>
      %squeeze3A_101 = vector.extract %slice3A_100[0] : f32 from vector<1xf32>
      %add3A_102 = arith.addf %add3A_99, %squeeze3A_101 : f32
      %slice3A_103 = vector.extract_strided_slice %scan3A_22#1 {offsets = [8], sizes = [1], strides = [1]} : vector<16xf32> to vector<1xf32>
      %squeeze3A_104 = vector.extract %slice3A_103[0] : f32 from vector<1xf32>
      %add3A_105 = arith.addf %add3A_102, %squeeze3A_104 : f32
      %slice3A_106 = vector.extract_strided_slice %scan3A_22#1 {offsets = [9], sizes = [1], strides = [1]} : vector<16xf32> to vector<1xf32>
      %squeeze3A_107 = vector.extract %slice3A_106[0] : f32 from vector<1xf32>
      %add3A_108 = arith.addf %add3A_105, %squeeze3A_107 : f32
      %slice3A_109 = vector.extract_strided_slice %scan3A_22#1 {offsets = [10], sizes = [1], strides = [1]} : vector<16xf32> to vector<1xf32>
      %squeeze3A_110 = vector.extract %slice3A_109[0] : f32 from vector<1xf32>
      %add3A_111 = arith.addf %add3A_108, %squeeze3A_110 : f32
      %slice3A_112 = vector.extract_strided_slice %scan3A_22#1 {offsets = [11], sizes = [1], strides = [1]} : vector<16xf32> to vector<1xf32>
      %squeeze3A_113 = vector.extract %slice3A_112[0] : f32 from vector<1xf32>
      %add3A_114 = arith.addf %add3A_111, %squeeze3A_113 : f32
      %slice3A_115 = vector.extract_strided_slice %scan3A_22#1 {offsets = [12], sizes = [1], strides = [1]} : vector<16xf32> to vector<1xf32>
      %squeeze3A_116 = vector.extract %slice3A_115[0] : f32 from vector<1xf32>
      %add3A_117 = arith.addf %add3A_114, %squeeze3A_116 : f32
      %slice3A_118 = vector.extract_strided_slice %scan3A_22#1 {offsets = [13], sizes = [1], strides = [1]} : vector<16xf32> to vector<1xf32>
      %squeeze3A_119 = vector.extract %slice3A_118[0] : f32 from vector<1xf32>
      %add3A_120 = arith.addf %add3A_117, %squeeze3A_119 : f32
      %slice3A_121 = vector.extract_strided_slice %scan3A_22#1 {offsets = [14], sizes = [1], strides = [1]} : vector<16xf32> to vector<1xf32>
      %squeeze3A_122 = vector.extract %slice3A_121[0] : f32 from vector<1xf32>
      %add3A_123 = arith.addf %add3A_120, %squeeze3A_122 : f32
      %slice3A_124 = vector.extract_strided_slice %scan3A_22#1 {offsets = [15], sizes = [1], strides = [1]} : vector<16xf32> to vector<1xf32>
      %squeeze3A_125 = vector.extract %slice3A_124[0] : f32 from vector<1xf32>
      %add3A_126 = arith.addf %add3A_123, %squeeze3A_125 : f32
      %gt3A_127 = arith.constant 0.000000e+00 : f32
      %gt3A_128 = arith.cmpf ogt, %add3A_126, %gt3A_127 : f32
      %jit3A_129 = arith.constant 1.000000e+00 : f32
      %jit3A_130 = arith.constant 0.000000e+00 : f32
      %select_n3A_131 = arith.select %gt3A_128, %jit3A_129, %jit3A_130 : f32
      %eq3A_132 = arith.constant 1 : i32
      %eq3A_133 = vector.broadcast %eq3A_132 : i32 to vector<16xi32>
      %eq3A_134 = arith.cmpi eq, %iota3A, %eq3A_133 : vector<16xi32>
      %jit3A_135 = arith.constant 0.000000e+00 : f32
      %broadcast_in_dim3A_136 = vector.broadcast %select_n3A_131 : f32 to vector<16xf32>
      %broadcast_in_dim3A_137 = vector.broadcast %jit3A_135 : f32 to vector<16xf32>
      %select_n3A_138 = arith.select %eq3A_134, %broadcast_in_dim3A_136, %broadcast_in_dim3A_137 : vector<16xi1>, vector<16xf32>
      %add3A_139 = arith.addf %add3A_79, %select_n3A_138 : vector<16xf32>
      %slice3A_140 = vector.extract_strided_slice %scan3A_22#2 {offsets = [0], sizes = [1], strides = [1]} : vector<16xf32> to vector<1xf32>
      %squeeze3A_141 = vector.extract %slice3A_140[0] : f32 from vector<1xf32>
      %slice3A_142 = vector.extract_strided_slice %scan3A_22#2 {offsets = [1], sizes = [1], strides = [1]} : vector<16xf32> to vector<1xf32>
      %squeeze3A_143 = vector.extract %slice3A_142[0] : f32 from vector<1xf32>
      %add3A_144 = arith.addf %squeeze3A_141, %squeeze3A_143 : f32
      %slice3A_145 = vector.extract_strided_slice %scan3A_22#2 {offsets = [2], sizes = [1], strides = [1]} : vector<16xf32> to vector<1xf32>
      %squeeze3A_146 = vector.extract %slice3A_145[0] : f32 from vector<1xf32>
      %add3A_147 = arith.addf %add3A_144, %squeeze3A_146 : f32
      %slice3A_148 = vector.extract_strided_slice %scan3A_22#2 {offsets = [3], sizes = [1], strides = [1]} : vector<16xf32> to vector<1xf32>
      %squeeze3A_149 = vector.extract %slice3A_148[0] : f32 from vector<1xf32>
      %add3A_150 = arith.addf %add3A_147, %squeeze3A_149 : f32
      %slice3A_151 = vector.extract_strided_slice %scan3A_22#2 {offsets = [4], sizes = [1], strides = [1]} : vector<16xf32> to vector<1xf32>
      %squeeze3A_152 = vector.extract %slice3A_151[0] : f32 from vector<1xf32>
      %add3A_153 = arith.addf %add3A_150, %squeeze3A_152 : f32
      %slice3A_154 = vector.extract_strided_slice %scan3A_22#2 {offsets = [5], sizes = [1], strides = [1]} : vector<16xf32> to vector<1xf32>
      %squeeze3A_155 = vector.extract %slice3A_154[0] : f32 from vector<1xf32>
      %add3A_156 = arith.addf %add3A_153, %squeeze3A_155 : f32
      %slice3A_157 = vector.extract_strided_slice %scan3A_22#2 {offsets = [6], sizes = [1], strides = [1]} : vector<16xf32> to vector<1xf32>
      %squeeze3A_158 = vector.extract %slice3A_157[0] : f32 from vector<1xf32>
      %add3A_159 = arith.addf %add3A_156, %squeeze3A_158 : f32
      %slice3A_160 = vector.extract_strided_slice %scan3A_22#2 {offsets = [7], sizes = [1], strides = [1]} : vector<16xf32> to vector<1xf32>
      %squeeze3A_161 = vector.extract %slice3A_160[0] : f32 from vector<1xf32>
      %add3A_162 = arith.addf %add3A_159, %squeeze3A_161 : f32
      %slice3A_163 = vector.extract_strided_slice %scan3A_22#2 {offsets = [8], sizes = [1], strides = [1]} : vector<16xf32> to vector<1xf32>
      %squeeze3A_164 = vector.extract %slice3A_163[0] : f32 from vector<1xf32>
      %add3A_165 = arith.addf %add3A_162, %squeeze3A_164 : f32
      %slice3A_166 = vector.extract_strided_slice %scan3A_22#2 {offsets = [9], sizes = [1], strides = [1]} : vector<16xf32> to vector<1xf32>
      %squeeze3A_167 = vector.extract %slice3A_166[0] : f32 from vector<1xf32>
      %add3A_168 = arith.addf %add3A_165, %squeeze3A_167 : f32
      %slice3A_169 = vector.extract_strided_slice %scan3A_22#2 {offsets = [10], sizes = [1], strides = [1]} : vector<16xf32> to vector<1xf32>
      %squeeze3A_170 = vector.extract %slice3A_169[0] : f32 from vector<1xf32>
      %add3A_171 = arith.addf %add3A_168, %squeeze3A_170 : f32
      %slice3A_172 = vector.extract_strided_slice %scan3A_22#2 {offsets = [11], sizes = [1], strides = [1]} : vector<16xf32> to vector<1xf32>
      %squeeze3A_173 = vector.extract %slice3A_172[0] : f32 from vector<1xf32>
      %add3A_174 = arith.addf %add3A_171, %squeeze3A_173 : f32
      %slice3A_175 = vector.extract_strided_slice %scan3A_22#2 {offsets = [12], sizes = [1], strides = [1]} : vector<16xf32> to vector<1xf32>
      %squeeze3A_176 = vector.extract %slice3A_175[0] : f32 from vector<1xf32>
      %add3A_177 = arith.addf %add3A_174, %squeeze3A_176 : f32
      %slice3A_178 = vector.extract_strided_slice %scan3A_22#2 {offsets = [13], sizes = [1], strides = [1]} : vector<16xf32> to vector<1xf32>
      %squeeze3A_179 = vector.extract %slice3A_178[0] : f32 from vector<1xf32>
      %add3A_180 = arith.addf %add3A_177, %squeeze3A_179 : f32
      %slice3A_181 = vector.extract_strided_slice %scan3A_22#2 {offsets = [14], sizes = [1], strides = [1]} : vector<16xf32> to vector<1xf32>
      %squeeze3A_182 = vector.extract %slice3A_181[0] : f32 from vector<1xf32>
      %add3A_183 = arith.addf %add3A_180, %squeeze3A_182 : f32
      %slice3A_184 = vector.extract_strided_slice %scan3A_22#2 {offsets = [15], sizes = [1], strides = [1]} : vector<16xf32> to vector<1xf32>
      %squeeze3A_185 = vector.extract %slice3A_184[0] : f32 from vector<1xf32>
      %add3A_186 = arith.addf %add3A_183, %squeeze3A_185 : f32
      %gt3A_187 = arith.constant 0.000000e+00 : f32
      %gt3A_188 = arith.cmpf ogt, %add3A_186, %gt3A_187 : f32
      %jit3A_189 = arith.constant 1.000000e+00 : f32
      %jit3A_190 = arith.constant 0.000000e+00 : f32
      %select_n3A_191 = arith.select %gt3A_188, %jit3A_189, %jit3A_190 : f32
      %eq3A_192 = arith.constant 2 : i32
      %eq3A_193 = vector.broadcast %eq3A_192 : i32 to vector<16xi32>
      %eq3A_194 = arith.cmpi eq, %iota3A, %eq3A_193 : vector<16xi32>
      %jit3A_195 = arith.constant 0.000000e+00 : f32
      %broadcast_in_dim3A_196 = vector.broadcast %select_n3A_191 : f32 to vector<16xf32>
      %broadcast_in_dim3A_197 = vector.broadcast %jit3A_195 : f32 to vector<16xf32>
      %select_n3A_198 = arith.select %eq3A_194, %broadcast_in_dim3A_196, %broadcast_in_dim3A_197 : vector<16xi1>, vector<16xf32>
      %add3A_199 = arith.addf %add3A_139, %select_n3A_198 : vector<16xf32>
      %slice3A_200 = vector.extract_strided_slice %scan3A_22#3 {offsets = [0], sizes = [1], strides = [1]} : vector<16xf32> to vector<1xf32>
      %squeeze3A_201 = vector.extract %slice3A_200[0] : f32 from vector<1xf32>
      %slice3A_202 = vector.extract_strided_slice %scan3A_22#3 {offsets = [1], sizes = [1], strides = [1]} : vector<16xf32> to vector<1xf32>
      %squeeze3A_203 = vector.extract %slice3A_202[0] : f32 from vector<1xf32>
      %add3A_204 = arith.addf %squeeze3A_201, %squeeze3A_203 : f32
      %slice3A_205 = vector.extract_strided_slice %scan3A_22#3 {offsets = [2], sizes = [1], strides = [1]} : vector<16xf32> to vector<1xf32>
      %squeeze3A_206 = vector.extract %slice3A_205[0] : f32 from vector<1xf32>
      %add3A_207 = arith.addf %add3A_204, %squeeze3A_206 : f32
      %slice3A_208 = vector.extract_strided_slice %scan3A_22#3 {offsets = [3], sizes = [1], strides = [1]} : vector<16xf32> to vector<1xf32>
      %squeeze3A_209 = vector.extract %slice3A_208[0] : f32 from vector<1xf32>
      %add3A_210 = arith.addf %add3A_207, %squeeze3A_209 : f32
      %slice3A_211 = vector.extract_strided_slice %scan3A_22#3 {offsets = [4], sizes = [1], strides = [1]} : vector<16xf32> to vector<1xf32>
      %squeeze3A_212 = vector.extract %slice3A_211[0] : f32 from vector<1xf32>
      %add3A_213 = arith.addf %add3A_210, %squeeze3A_212 : f32
      %slice3A_214 = vector.extract_strided_slice %scan3A_22#3 {offsets = [5], sizes = [1], strides = [1]} : vector<16xf32> to vector<1xf32>
      %squeeze3A_215 = vector.extract %slice3A_214[0] : f32 from vector<1xf32>
      %add3A_216 = arith.addf %add3A_213, %squeeze3A_215 : f32
      %slice3A_217 = vector.extract_strided_slice %scan3A_22#3 {offsets = [6], sizes = [1], strides = [1]} : vector<16xf32> to vector<1xf32>
      %squeeze3A_218 = vector.extract %slice3A_217[0] : f32 from vector<1xf32>
      %add3A_219 = arith.addf %add3A_216, %squeeze3A_218 : f32
      %slice3A_220 = vector.extract_strided_slice %scan3A_22#3 {offsets = [7], sizes = [1], strides = [1]} : vector<16xf32> to vector<1xf32>
      %squeeze3A_221 = vector.extract %slice3A_220[0] : f32 from vector<1xf32>
      %add3A_222 = arith.addf %add3A_219, %squeeze3A_221 : f32
      %slice3A_223 = vector.extract_strided_slice %scan3A_22#3 {offsets = [8], sizes = [1], strides = [1]} : vector<16xf32> to vector<1xf32>
      %squeeze3A_224 = vector.extract %slice3A_223[0] : f32 from vector<1xf32>
      %add3A_225 = arith.addf %add3A_222, %squeeze3A_224 : f32
      %slice3A_226 = vector.extract_strided_slice %scan3A_22#3 {offsets = [9], sizes = [1], strides = [1]} : vector<16xf32> to vector<1xf32>
      %squeeze3A_227 = vector.extract %slice3A_226[0] : f32 from vector<1xf32>
      %add3A_228 = arith.addf %add3A_225, %squeeze3A_227 : f32
      %slice3A_229 = vector.extract_strided_slice %scan3A_22#3 {offsets = [10], sizes = [1], strides = [1]} : vector<16xf32> to vector<1xf32>
      %squeeze3A_230 = vector.extract %slice3A_229[0] : f32 from vector<1xf32>
      %add3A_231 = arith.addf %add3A_228, %squeeze3A_230 : f32
      %slice3A_232 = vector.extract_strided_slice %scan3A_22#3 {offsets = [11], sizes = [1], strides = [1]} : vector<16xf32> to vector<1xf32>
      %squeeze3A_233 = vector.extract %slice3A_232[0] : f32 from vector<1xf32>
      %add3A_234 = arith.addf %add3A_231, %squeeze3A_233 : f32
      %slice3A_235 = vector.extract_strided_slice %scan3A_22#3 {offsets = [12], sizes = [1], strides = [1]} : vector<16xf32> to vector<1xf32>
      %squeeze3A_236 = vector.extract %slice3A_235[0] : f32 from vector<1xf32>
      %add3A_237 = arith.addf %add3A_234, %squeeze3A_236 : f32
      %slice3A_238 = vector.extract_strided_slice %scan3A_22#3 {offsets = [13], sizes = [1], strides = [1]} : vector<16xf32> to vector<1xf32>
      %squeeze3A_239 = vector.extract %slice3A_238[0] : f32 from vector<1xf32>
      %add3A_240 = arith.addf %add3A_237, %squeeze3A_239 : f32
      %slice3A_241 = vector.extract_strided_slice %scan3A_22#3 {offsets = [14], sizes = [1], strides = [1]} : vector<16xf32> to vector<1xf32>
      %squeeze3A_242 = vector.extract %slice3A_241[0] : f32 from vector<1xf32>
      %add3A_243 = arith.addf %add3A_240, %squeeze3A_242 : f32
      %slice3A_244 = vector.extract_strided_slice %scan3A_22#3 {offsets = [15], sizes = [1], strides = [1]} : vector<16xf32> to vector<1xf32>
      %squeeze3A_245 = vector.extract %slice3A_244[0] : f32 from vector<1xf32>
      %add3A_246 = arith.addf %add3A_243, %squeeze3A_245 : f32
      %gt3A_247 = arith.constant 0.000000e+00 : f32
      %gt3A_248 = arith.cmpf ogt, %add3A_246, %gt3A_247 : f32
      %jit3A_249 = arith.constant 1.000000e+00 : f32
      %jit3A_250 = arith.constant 0.000000e+00 : f32
      %select_n3A_251 = arith.select %gt3A_248, %jit3A_249, %jit3A_250 : f32
      %eq3A_252 = arith.constant 3 : i32
      %eq3A_253 = vector.broadcast %eq3A_252 : i32 to vector<16xi32>
      %eq3A_254 = arith.cmpi eq, %iota3A, %eq3A_253 : vector<16xi32>
      %jit3A_255 = arith.constant 0.000000e+00 : f32
      %broadcast_in_dim3A_256 = vector.broadcast %select_n3A_251 : f32 to vector<16xf32>
      %broadcast_in_dim3A_257 = vector.broadcast %jit3A_255 : f32 to vector<16xf32>
      %select_n3A_258 = arith.select %eq3A_254, %broadcast_in_dim3A_256, %broadcast_in_dim3A_257 : vector<16xi1>, vector<16xf32>
      %add3A_259 = arith.addf %add3A_199, %select_n3A_258 : vector<16xf32>
      %slice3A_260 = vector.extract_strided_slice %scan3A_22#4 {offsets = [0], sizes = [1], strides = [1]} : vector<16xf32> to vector<1xf32>
      %squeeze3A_261 = vector.extract %slice3A_260[0] : f32 from vector<1xf32>
      %slice3A_262 = vector.extract_strided_slice %scan3A_22#4 {offsets = [1], sizes = [1], strides = [1]} : vector<16xf32> to vector<1xf32>
      %squeeze3A_263 = vector.extract %slice3A_262[0] : f32 from vector<1xf32>
      %add3A_264 = arith.addf %squeeze3A_261, %squeeze3A_263 : f32
      %slice3A_265 = vector.extract_strided_slice %scan3A_22#4 {offsets = [2], sizes = [1], strides = [1]} : vector<16xf32> to vector<1xf32>
      %squeeze3A_266 = vector.extract %slice3A_265[0] : f32 from vector<1xf32>
      %add3A_267 = arith.addf %add3A_264, %squeeze3A_266 : f32
      %slice3A_268 = vector.extract_strided_slice %scan3A_22#4 {offsets = [3], sizes = [1], strides = [1]} : vector<16xf32> to vector<1xf32>
      %squeeze3A_269 = vector.extract %slice3A_268[0] : f32 from vector<1xf32>
      %add3A_270 = arith.addf %add3A_267, %squeeze3A_269 : f32
      %slice3A_271 = vector.extract_strided_slice %scan3A_22#4 {offsets = [4], sizes = [1], strides = [1]} : vector<16xf32> to vector<1xf32>
      %squeeze3A_272 = vector.extract %slice3A_271[0] : f32 from vector<1xf32>
      %add3A_273 = arith.addf %add3A_270, %squeeze3A_272 : f32
      %slice3A_274 = vector.extract_strided_slice %scan3A_22#4 {offsets = [5], sizes = [1], strides = [1]} : vector<16xf32> to vector<1xf32>
      %squeeze3A_275 = vector.extract %slice3A_274[0] : f32 from vector<1xf32>
      %add3A_276 = arith.addf %add3A_273, %squeeze3A_275 : f32
      %slice3A_277 = vector.extract_strided_slice %scan3A_22#4 {offsets = [6], sizes = [1], strides = [1]} : vector<16xf32> to vector<1xf32>
      %squeeze3A_278 = vector.extract %slice3A_277[0] : f32 from vector<1xf32>
      %add3A_279 = arith.addf %add3A_276, %squeeze3A_278 : f32
      %slice3A_280 = vector.extract_strided_slice %scan3A_22#4 {offsets = [7], sizes = [1], strides = [1]} : vector<16xf32> to vector<1xf32>
      %squeeze3A_281 = vector.extract %slice3A_280[0] : f32 from vector<1xf32>
      %add3A_282 = arith.addf %add3A_279, %squeeze3A_281 : f32
      %slice3A_283 = vector.extract_strided_slice %scan3A_22#4 {offsets = [8], sizes = [1], strides = [1]} : vector<16xf32> to vector<1xf32>
      %squeeze3A_284 = vector.extract %slice3A_283[0] : f32 from vector<1xf32>
      %add3A_285 = arith.addf %add3A_282, %squeeze3A_284 : f32
      %slice3A_286 = vector.extract_strided_slice %scan3A_22#4 {offsets = [9], sizes = [1], strides = [1]} : vector<16xf32> to vector<1xf32>
      %squeeze3A_287 = vector.extract %slice3A_286[0] : f32 from vector<1xf32>
      %add3A_288 = arith.addf %add3A_285, %squeeze3A_287 : f32
      %slice3A_289 = vector.extract_strided_slice %scan3A_22#4 {offsets = [10], sizes = [1], strides = [1]} : vector<16xf32> to vector<1xf32>
      %squeeze3A_290 = vector.extract %slice3A_289[0] : f32 from vector<1xf32>
      %add3A_291 = arith.addf %add3A_288, %squeeze3A_290 : f32
      %slice3A_292 = vector.extract_strided_slice %scan3A_22#4 {offsets = [11], sizes = [1], strides = [1]} : vector<16xf32> to vector<1xf32>
      %squeeze3A_293 = vector.extract %slice3A_292[0] : f32 from vector<1xf32>
      %add3A_294 = arith.addf %add3A_291, %squeeze3A_293 : f32
      %slice3A_295 = vector.extract_strided_slice %scan3A_22#4 {offsets = [12], sizes = [1], strides = [1]} : vector<16xf32> to vector<1xf32>
      %squeeze3A_296 = vector.extract %slice3A_295[0] : f32 from vector<1xf32>
      %add3A_297 = arith.addf %add3A_294, %squeeze3A_296 : f32
      %slice3A_298 = vector.extract_strided_slice %scan3A_22#4 {offsets = [13], sizes = [1], strides = [1]} : vector<16xf32> to vector<1xf32>
      %squeeze3A_299 = vector.extract %slice3A_298[0] : f32 from vector<1xf32>
      %add3A_300 = arith.addf %add3A_297, %squeeze3A_299 : f32
      %slice3A_301 = vector.extract_strided_slice %scan3A_22#4 {offsets = [14], sizes = [1], strides = [1]} : vector<16xf32> to vector<1xf32>
      %squeeze3A_302 = vector.extract %slice3A_301[0] : f32 from vector<1xf32>
      %add3A_303 = arith.addf %add3A_300, %squeeze3A_302 : f32
      %slice3A_304 = vector.extract_strided_slice %scan3A_22#4 {offsets = [15], sizes = [1], strides = [1]} : vector<16xf32> to vector<1xf32>
      %squeeze3A_305 = vector.extract %slice3A_304[0] : f32 from vector<1xf32>
      %add3A_306 = arith.addf %add3A_303, %squeeze3A_305 : f32
      %gt3A_307 = arith.constant 0.000000e+00 : f32
      %gt3A_308 = arith.cmpf ogt, %add3A_306, %gt3A_307 : f32
      %jit3A_309 = arith.constant 1.000000e+00 : f32
      %jit3A_310 = arith.constant 0.000000e+00 : f32
      %select_n3A_311 = arith.select %gt3A_308, %jit3A_309, %jit3A_310 : f32
      %eq3A_312 = arith.constant 4 : i32
      %eq3A_313 = vector.broadcast %eq3A_312 : i32 to vector<16xi32>
      %eq3A_314 = arith.cmpi eq, %iota3A, %eq3A_313 : vector<16xi32>
      %jit3A_315 = arith.constant 0.000000e+00 : f32
      %broadcast_in_dim3A_316 = vector.broadcast %select_n3A_311 : f32 to vector<16xf32>
      %broadcast_in_dim3A_317 = vector.broadcast %jit3A_315 : f32 to vector<16xf32>
      %select_n3A_318 = arith.select %eq3A_314, %broadcast_in_dim3A_316, %broadcast_in_dim3A_317 : vector<16xi1>, vector<16xf32>
      %add3A_319 = arith.addf %add3A_259, %select_n3A_318 : vector<16xf32>
      %slice3A_320 = vector.extract_strided_slice %scan3A_22#5 {offsets = [0], sizes = [1], strides = [1]} : vector<16xf32> to vector<1xf32>
      %squeeze3A_321 = vector.extract %slice3A_320[0] : f32 from vector<1xf32>
      %slice3A_322 = vector.extract_strided_slice %scan3A_22#5 {offsets = [1], sizes = [1], strides = [1]} : vector<16xf32> to vector<1xf32>
      %squeeze3A_323 = vector.extract %slice3A_322[0] : f32 from vector<1xf32>
      %add3A_324 = arith.addf %squeeze3A_321, %squeeze3A_323 : f32
      %slice3A_325 = vector.extract_strided_slice %scan3A_22#5 {offsets = [2], sizes = [1], strides = [1]} : vector<16xf32> to vector<1xf32>
      %squeeze3A_326 = vector.extract %slice3A_325[0] : f32 from vector<1xf32>
      %add3A_327 = arith.addf %add3A_324, %squeeze3A_326 : f32
      %slice3A_328 = vector.extract_strided_slice %scan3A_22#5 {offsets = [3], sizes = [1], strides = [1]} : vector<16xf32> to vector<1xf32>
      %squeeze3A_329 = vector.extract %slice3A_328[0] : f32 from vector<1xf32>
      %add3A_330 = arith.addf %add3A_327, %squeeze3A_329 : f32
      %slice3A_331 = vector.extract_strided_slice %scan3A_22#5 {offsets = [4], sizes = [1], strides = [1]} : vector<16xf32> to vector<1xf32>
      %squeeze3A_332 = vector.extract %slice3A_331[0] : f32 from vector<1xf32>
      %add3A_333 = arith.addf %add3A_330, %squeeze3A_332 : f32
      %slice3A_334 = vector.extract_strided_slice %scan3A_22#5 {offsets = [5], sizes = [1], strides = [1]} : vector<16xf32> to vector<1xf32>
      %squeeze3A_335 = vector.extract %slice3A_334[0] : f32 from vector<1xf32>
      %add3A_336 = arith.addf %add3A_333, %squeeze3A_335 : f32
      %slice3A_337 = vector.extract_strided_slice %scan3A_22#5 {offsets = [6], sizes = [1], strides = [1]} : vector<16xf32> to vector<1xf32>
      %squeeze3A_338 = vector.extract %slice3A_337[0] : f32 from vector<1xf32>
      %add3A_339 = arith.addf %add3A_336, %squeeze3A_338 : f32
      %slice3A_340 = vector.extract_strided_slice %scan3A_22#5 {offsets = [7], sizes = [1], strides = [1]} : vector<16xf32> to vector<1xf32>
      %squeeze3A_341 = vector.extract %slice3A_340[0] : f32 from vector<1xf32>
      %add3A_342 = arith.addf %add3A_339, %squeeze3A_341 : f32
      %slice3A_343 = vector.extract_strided_slice %scan3A_22#5 {offsets = [8], sizes = [1], strides = [1]} : vector<16xf32> to vector<1xf32>
      %squeeze3A_344 = vector.extract %slice3A_343[0] : f32 from vector<1xf32>
      %add3A_345 = arith.addf %add3A_342, %squeeze3A_344 : f32
      %slice3A_346 = vector.extract_strided_slice %scan3A_22#5 {offsets = [9], sizes = [1], strides = [1]} : vector<16xf32> to vector<1xf32>
      %squeeze3A_347 = vector.extract %slice3A_346[0] : f32 from vector<1xf32>
      %add3A_348 = arith.addf %add3A_345, %squeeze3A_347 : f32
      %slice3A_349 = vector.extract_strided_slice %scan3A_22#5 {offsets = [10], sizes = [1], strides = [1]} : vector<16xf32> to vector<1xf32>
      %squeeze3A_350 = vector.extract %slice3A_349[0] : f32 from vector<1xf32>
      %add3A_351 = arith.addf %add3A_348, %squeeze3A_350 : f32
      %slice3A_352 = vector.extract_strided_slice %scan3A_22#5 {offsets = [11], sizes = [1], strides = [1]} : vector<16xf32> to vector<1xf32>
      %squeeze3A_353 = vector.extract %slice3A_352[0] : f32 from vector<1xf32>
      %add3A_354 = arith.addf %add3A_351, %squeeze3A_353 : f32
      %slice3A_355 = vector.extract_strided_slice %scan3A_22#5 {offsets = [12], sizes = [1], strides = [1]} : vector<16xf32> to vector<1xf32>
      %squeeze3A_356 = vector.extract %slice3A_355[0] : f32 from vector<1xf32>
      %add3A_357 = arith.addf %add3A_354, %squeeze3A_356 : f32
      %slice3A_358 = vector.extract_strided_slice %scan3A_22#5 {offsets = [13], sizes = [1], strides = [1]} : vector<16xf32> to vector<1xf32>
      %squeeze3A_359 = vector.extract %slice3A_358[0] : f32 from vector<1xf32>
      %add3A_360 = arith.addf %add3A_357, %squeeze3A_359 : f32
      %slice3A_361 = vector.extract_strided_slice %scan3A_22#5 {offsets = [14], sizes = [1], strides = [1]} : vector<16xf32> to vector<1xf32>
      %squeeze3A_362 = vector.extract %slice3A_361[0] : f32 from vector<1xf32>
      %add3A_363 = arith.addf %add3A_360, %squeeze3A_362 : f32
      %slice3A_364 = vector.extract_strided_slice %scan3A_22#5 {offsets = [15], sizes = [1], strides = [1]} : vector<16xf32> to vector<1xf32>
      %squeeze3A_365 = vector.extract %slice3A_364[0] : f32 from vector<1xf32>
      %add3A_366 = arith.addf %add3A_363, %squeeze3A_365 : f32
      %gt3A_367 = arith.constant 0.000000e+00 : f32
      %gt3A_368 = arith.cmpf ogt, %add3A_366, %gt3A_367 : f32
      %jit3A_369 = arith.constant 1.000000e+00 : f32
      %jit3A_370 = arith.constant 0.000000e+00 : f32
      %select_n3A_371 = arith.select %gt3A_368, %jit3A_369, %jit3A_370 : f32
      %eq3A_372 = arith.constant 5 : i32
      %eq3A_373 = vector.broadcast %eq3A_372 : i32 to vector<16xi32>
      %eq3A_374 = arith.cmpi eq, %iota3A, %eq3A_373 : vector<16xi32>
      %jit3A_375 = arith.constant 0.000000e+00 : f32
      %broadcast_in_dim3A_376 = vector.broadcast %select_n3A_371 : f32 to vector<16xf32>
      %broadcast_in_dim3A_377 = vector.broadcast %jit3A_375 : f32 to vector<16xf32>
      %select_n3A_378 = arith.select %eq3A_374, %broadcast_in_dim3A_376, %broadcast_in_dim3A_377 : vector<16xi1>, vector<16xf32>
      %add3A_379 = arith.addf %add3A_319, %select_n3A_378 : vector<16xf32>
      %slice3A_380 = vector.extract_strided_slice %scan3A_22#6 {offsets = [0], sizes = [1], strides = [1]} : vector<16xf32> to vector<1xf32>
      %squeeze3A_381 = vector.extract %slice3A_380[0] : f32 from vector<1xf32>
      %slice3A_382 = vector.extract_strided_slice %scan3A_22#6 {offsets = [1], sizes = [1], strides = [1]} : vector<16xf32> to vector<1xf32>
      %squeeze3A_383 = vector.extract %slice3A_382[0] : f32 from vector<1xf32>
      %add3A_384 = arith.addf %squeeze3A_381, %squeeze3A_383 : f32
      %slice3A_385 = vector.extract_strided_slice %scan3A_22#6 {offsets = [2], sizes = [1], strides = [1]} : vector<16xf32> to vector<1xf32>
      %squeeze3A_386 = vector.extract %slice3A_385[0] : f32 from vector<1xf32>
      %add3A_387 = arith.addf %add3A_384, %squeeze3A_386 : f32
      %slice3A_388 = vector.extract_strided_slice %scan3A_22#6 {offsets = [3], sizes = [1], strides = [1]} : vector<16xf32> to vector<1xf32>
      %squeeze3A_389 = vector.extract %slice3A_388[0] : f32 from vector<1xf32>
      %add3A_390 = arith.addf %add3A_387, %squeeze3A_389 : f32
      %slice3A_391 = vector.extract_strided_slice %scan3A_22#6 {offsets = [4], sizes = [1], strides = [1]} : vector<16xf32> to vector<1xf32>
      %squeeze3A_392 = vector.extract %slice3A_391[0] : f32 from vector<1xf32>
      %add3A_393 = arith.addf %add3A_390, %squeeze3A_392 : f32
      %slice3A_394 = vector.extract_strided_slice %scan3A_22#6 {offsets = [5], sizes = [1], strides = [1]} : vector<16xf32> to vector<1xf32>
      %squeeze3A_395 = vector.extract %slice3A_394[0] : f32 from vector<1xf32>
      %add3A_396 = arith.addf %add3A_393, %squeeze3A_395 : f32
      %slice3A_397 = vector.extract_strided_slice %scan3A_22#6 {offsets = [6], sizes = [1], strides = [1]} : vector<16xf32> to vector<1xf32>
      %squeeze3A_398 = vector.extract %slice3A_397[0] : f32 from vector<1xf32>
      %add3A_399 = arith.addf %add3A_396, %squeeze3A_398 : f32
      %slice3A_400 = vector.extract_strided_slice %scan3A_22#6 {offsets = [7], sizes = [1], strides = [1]} : vector<16xf32> to vector<1xf32>
      %squeeze3A_401 = vector.extract %slice3A_400[0] : f32 from vector<1xf32>
      %add3A_402 = arith.addf %add3A_399, %squeeze3A_401 : f32
      %slice3A_403 = vector.extract_strided_slice %scan3A_22#6 {offsets = [8], sizes = [1], strides = [1]} : vector<16xf32> to vector<1xf32>
      %squeeze3A_404 = vector.extract %slice3A_403[0] : f32 from vector<1xf32>
      %add3A_405 = arith.addf %add3A_402, %squeeze3A_404 : f32
      %slice3A_406 = vector.extract_strided_slice %scan3A_22#6 {offsets = [9], sizes = [1], strides = [1]} : vector<16xf32> to vector<1xf32>
      %squeeze3A_407 = vector.extract %slice3A_406[0] : f32 from vector<1xf32>
      %add3A_408 = arith.addf %add3A_405, %squeeze3A_407 : f32
      %slice3A_409 = vector.extract_strided_slice %scan3A_22#6 {offsets = [10], sizes = [1], strides = [1]} : vector<16xf32> to vector<1xf32>
      %squeeze3A_410 = vector.extract %slice3A_409[0] : f32 from vector<1xf32>
      %add3A_411 = arith.addf %add3A_408, %squeeze3A_410 : f32
      %slice3A_412 = vector.extract_strided_slice %scan3A_22#6 {offsets = [11], sizes = [1], strides = [1]} : vector<16xf32> to vector<1xf32>
      %squeeze3A_413 = vector.extract %slice3A_412[0] : f32 from vector<1xf32>
      %add3A_414 = arith.addf %add3A_411, %squeeze3A_413 : f32
      %slice3A_415 = vector.extract_strided_slice %scan3A_22#6 {offsets = [12], sizes = [1], strides = [1]} : vector<16xf32> to vector<1xf32>
      %squeeze3A_416 = vector.extract %slice3A_415[0] : f32 from vector<1xf32>
      %add3A_417 = arith.addf %add3A_414, %squeeze3A_416 : f32
      %slice3A_418 = vector.extract_strided_slice %scan3A_22#6 {offsets = [13], sizes = [1], strides = [1]} : vector<16xf32> to vector<1xf32>
      %squeeze3A_419 = vector.extract %slice3A_418[0] : f32 from vector<1xf32>
      %add3A_420 = arith.addf %add3A_417, %squeeze3A_419 : f32
      %slice3A_421 = vector.extract_strided_slice %scan3A_22#6 {offsets = [14], sizes = [1], strides = [1]} : vector<16xf32> to vector<1xf32>
      %squeeze3A_422 = vector.extract %slice3A_421[0] : f32 from vector<1xf32>
      %add3A_423 = arith.addf %add3A_420, %squeeze3A_422 : f32
      %slice3A_424 = vector.extract_strided_slice %scan3A_22#6 {offsets = [15], sizes = [1], strides = [1]} : vector<16xf32> to vector<1xf32>
      %squeeze3A_425 = vector.extract %slice3A_424[0] : f32 from vector<1xf32>
      %add3A_426 = arith.addf %add3A_423, %squeeze3A_425 : f32
      %gt3A_427 = arith.constant 0.000000e+00 : f32
      %gt3A_428 = arith.cmpf ogt, %add3A_426, %gt3A_427 : f32
      %jit3A_429 = arith.constant 1.000000e+00 : f32
      %jit3A_430 = arith.constant 0.000000e+00 : f32
      %select_n3A_431 = arith.select %gt3A_428, %jit3A_429, %jit3A_430 : f32
      %eq3A_432 = arith.constant 6 : i32
      %eq3A_433 = vector.broadcast %eq3A_432 : i32 to vector<16xi32>
      %eq3A_434 = arith.cmpi eq, %iota3A, %eq3A_433 : vector<16xi32>
      %jit3A_435 = arith.constant 0.000000e+00 : f32
      %broadcast_in_dim3A_436 = vector.broadcast %select_n3A_431 : f32 to vector<16xf32>
      %broadcast_in_dim3A_437 = vector.broadcast %jit3A_435 : f32 to vector<16xf32>
      %select_n3A_438 = arith.select %eq3A_434, %broadcast_in_dim3A_436, %broadcast_in_dim3A_437 : vector<16xi1>, vector<16xf32>
      %add3A_439 = arith.addf %add3A_379, %select_n3A_438 : vector<16xf32>
      %slice3A_440 = vector.extract_strided_slice %scan3A_22#7 {offsets = [0], sizes = [1], strides = [1]} : vector<16xf32> to vector<1xf32>
      %squeeze3A_441 = vector.extract %slice3A_440[0] : f32 from vector<1xf32>
      %slice3A_442 = vector.extract_strided_slice %scan3A_22#7 {offsets = [1], sizes = [1], strides = [1]} : vector<16xf32> to vector<1xf32>
      %squeeze3A_443 = vector.extract %slice3A_442[0] : f32 from vector<1xf32>
      %add3A_444 = arith.addf %squeeze3A_441, %squeeze3A_443 : f32
      %slice3A_445 = vector.extract_strided_slice %scan3A_22#7 {offsets = [2], sizes = [1], strides = [1]} : vector<16xf32> to vector<1xf32>
      %squeeze3A_446 = vector.extract %slice3A_445[0] : f32 from vector<1xf32>
      %add3A_447 = arith.addf %add3A_444, %squeeze3A_446 : f32
      %slice3A_448 = vector.extract_strided_slice %scan3A_22#7 {offsets = [3], sizes = [1], strides = [1]} : vector<16xf32> to vector<1xf32>
      %squeeze3A_449 = vector.extract %slice3A_448[0] : f32 from vector<1xf32>
      %add3A_450 = arith.addf %add3A_447, %squeeze3A_449 : f32
      %slice3A_451 = vector.extract_strided_slice %scan3A_22#7 {offsets = [4], sizes = [1], strides = [1]} : vector<16xf32> to vector<1xf32>
      %squeeze3A_452 = vector.extract %slice3A_451[0] : f32 from vector<1xf32>
      %add3A_453 = arith.addf %add3A_450, %squeeze3A_452 : f32
      %slice3A_454 = vector.extract_strided_slice %scan3A_22#7 {offsets = [5], sizes = [1], strides = [1]} : vector<16xf32> to vector<1xf32>
      %squeeze3A_455 = vector.extract %slice3A_454[0] : f32 from vector<1xf32>
      %add3A_456 = arith.addf %add3A_453, %squeeze3A_455 : f32
      %slice3A_457 = vector.extract_strided_slice %scan3A_22#7 {offsets = [6], sizes = [1], strides = [1]} : vector<16xf32> to vector<1xf32>
      %squeeze3A_458 = vector.extract %slice3A_457[0] : f32 from vector<1xf32>
      %add3A_459 = arith.addf %add3A_456, %squeeze3A_458 : f32
      %slice3A_460 = vector.extract_strided_slice %scan3A_22#7 {offsets = [7], sizes = [1], strides = [1]} : vector<16xf32> to vector<1xf32>
      %squeeze3A_461 = vector.extract %slice3A_460[0] : f32 from vector<1xf32>
      %add3A_462 = arith.addf %add3A_459, %squeeze3A_461 : f32
      %slice3A_463 = vector.extract_strided_slice %scan3A_22#7 {offsets = [8], sizes = [1], strides = [1]} : vector<16xf32> to vector<1xf32>
      %squeeze3A_464 = vector.extract %slice3A_463[0] : f32 from vector<1xf32>
      %add3A_465 = arith.addf %add3A_462, %squeeze3A_464 : f32
      %slice3A_466 = vector.extract_strided_slice %scan3A_22#7 {offsets = [9], sizes = [1], strides = [1]} : vector<16xf32> to vector<1xf32>
      %squeeze3A_467 = vector.extract %slice3A_466[0] : f32 from vector<1xf32>
      %add3A_468 = arith.addf %add3A_465, %squeeze3A_467 : f32
      %slice3A_469 = vector.extract_strided_slice %scan3A_22#7 {offsets = [10], sizes = [1], strides = [1]} : vector<16xf32> to vector<1xf32>
      %squeeze3A_470 = vector.extract %slice3A_469[0] : f32 from vector<1xf32>
      %add3A_471 = arith.addf %add3A_468, %squeeze3A_470 : f32
      %slice3A_472 = vector.extract_strided_slice %scan3A_22#7 {offsets = [11], sizes = [1], strides = [1]} : vector<16xf32> to vector<1xf32>
      %squeeze3A_473 = vector.extract %slice3A_472[0] : f32 from vector<1xf32>
      %add3A_474 = arith.addf %add3A_471, %squeeze3A_473 : f32
      %slice3A_475 = vector.extract_strided_slice %scan3A_22#7 {offsets = [12], sizes = [1], strides = [1]} : vector<16xf32> to vector<1xf32>
      %squeeze3A_476 = vector.extract %slice3A_475[0] : f32 from vector<1xf32>
      %add3A_477 = arith.addf %add3A_474, %squeeze3A_476 : f32
      %slice3A_478 = vector.extract_strided_slice %scan3A_22#7 {offsets = [13], sizes = [1], strides = [1]} : vector<16xf32> to vector<1xf32>
      %squeeze3A_479 = vector.extract %slice3A_478[0] : f32 from vector<1xf32>
      %add3A_480 = arith.addf %add3A_477, %squeeze3A_479 : f32
      %slice3A_481 = vector.extract_strided_slice %scan3A_22#7 {offsets = [14], sizes = [1], strides = [1]} : vector<16xf32> to vector<1xf32>
      %squeeze3A_482 = vector.extract %slice3A_481[0] : f32 from vector<1xf32>
      %add3A_483 = arith.addf %add3A_480, %squeeze3A_482 : f32
      %slice3A_484 = vector.extract_strided_slice %scan3A_22#7 {offsets = [15], sizes = [1], strides = [1]} : vector<16xf32> to vector<1xf32>
      %squeeze3A_485 = vector.extract %slice3A_484[0] : f32 from vector<1xf32>
      %add3A_486 = arith.addf %add3A_483, %squeeze3A_485 : f32
      %gt3A_487 = arith.constant 0.000000e+00 : f32
      %gt3A_488 = arith.cmpf ogt, %add3A_486, %gt3A_487 : f32
      %jit3A_489 = arith.constant 1.000000e+00 : f32
      %jit3A_490 = arith.constant 0.000000e+00 : f32
      %select_n3A_491 = arith.select %gt3A_488, %jit3A_489, %jit3A_490 : f32
      %eq3A_492 = arith.constant 7 : i32
      %eq3A_493 = vector.broadcast %eq3A_492 : i32 to vector<16xi32>
      %eq3A_494 = arith.cmpi eq, %iota3A, %eq3A_493 : vector<16xi32>
      %jit3A_495 = arith.constant 0.000000e+00 : f32
      %broadcast_in_dim3A_496 = vector.broadcast %select_n3A_491 : f32 to vector<16xf32>
      %broadcast_in_dim3A_497 = vector.broadcast %jit3A_495 : f32 to vector<16xf32>
      %select_n3A_498 = arith.select %eq3A_494, %broadcast_in_dim3A_496, %broadcast_in_dim3A_497 : vector<16xi1>, vector<16xf32>
      %add3A_499 = arith.addf %add3A_439, %select_n3A_498 : vector<16xf32>
      %get3A = arith.constant 0 : i32
      %get3A_500 = arith.index_cast %get3A : i32 to index
      %get3A_501 = arith.constant 0 : index
      %get3A_502 = tpu.vector_load %arg5[%get3A_500, %get3A_501] {strides = array<i32>} : memref<8x2048xf32, #tpu.memory_space<vmem>>, vector<1x16xf32>,
      %get3A_503 = vector.shape_cast %get3A_502 : vector<1x16xf32> to vector<16xf32>
      %get3A_504 = arith.constant 1 : i32
      %get3A_505 = arith.index_cast %get3A_504 : i32 to index
      %get3A_506 = arith.constant 0 : index
      %get3A_507 = tpu.vector_load %arg5[%get3A_505, %get3A_506] {strides = array<i32>} : memref<8x2048xf32, #tpu.memory_space<vmem>>, vector<1x16xf32>,
      %get3A_508 = vector.shape_cast %get3A_507 : vector<1x16xf32> to vector<16xf32>
      %get3A_509 = arith.constant 2 : i32
      %get3A_510 = arith.index_cast %get3A_509 : i32 to index
      %get3A_511 = arith.constant 0 : index
      %get3A_512 = tpu.vector_load %arg5[%get3A_510, %get3A_511] {strides = array<i32>} : memref<8x2048xf32, #tpu.memory_space<vmem>>, vector<1x16xf32>,
      %get3A_513 = vector.shape_cast %get3A_512 : vector<1x16xf32> to vector<16xf32>
      %get3A_514 = arith.constant 3 : i32
      %get3A_515 = arith.index_cast %get3A_514 : i32 to index
      %get3A_516 = arith.constant 0 : index
      %get3A_517 = tpu.vector_load %arg5[%get3A_515, %get3A_516] {strides = array<i32>} : memref<8x2048xf32, #tpu.memory_space<vmem>>, vector<1x16xf32>,
      %get3A_518 = vector.shape_cast %get3A_517 : vector<1x16xf32> to vector<16xf32>
      %get3A_519 = arith.constant 4 : i32
      %get3A_520 = arith.index_cast %get3A_519 : i32 to index
      %get3A_521 = arith.constant 0 : index
      %get3A_522 = tpu.vector_load %arg5[%get3A_520, %get3A_521] {strides = array<i32>} : memref<8x2048xf32, #tpu.memory_space<vmem>>, vector<1x16xf32>,
      %get3A_523 = vector.shape_cast %get3A_522 : vector<1x16xf32> to vector<16xf32>
      %get3A_524 = arith.constant 5 : i32
      %get3A_525 = arith.index_cast %get3A_524 : i32 to index
      %get3A_526 = arith.constant 0 : index
      %get3A_527 = tpu.vector_load %arg5[%get3A_525, %get3A_526] {strides = array<i32>} : memref<8x2048xf32, #tpu.memory_space<vmem>>, vector<1x16xf32>,
      %get3A_528 = vector.shape_cast %get3A_527 : vector<1x16xf32> to vector<16xf32>
      %get3A_529 = arith.constant 6 : i32
      %get3A_530 = arith.index_cast %get3A_529 : i32 to index
      %get3A_531 = arith.constant 0 : index
      %get3A_532 = tpu.vector_load %arg5[%get3A_530, %get3A_531] {strides = array<i32>} : memref<8x2048xf32, #tpu.memory_space<vmem>>, vector<1x16xf32>,
      %get3A_533 = vector.shape_cast %get3A_532 : vector<1x16xf32> to vector<16xf32>
      %get3A_534 = arith.constant 7 : i32
      %get3A_535 = arith.index_cast %get3A_534 : i32 to index
      %get3A_536 = arith.constant 0 : index
      %get3A_537 = tpu.vector_load %arg5[%get3A_535, %get3A_536] {strides = array<i32>} : memref<8x2048xf32, #tpu.memory_space<vmem>>, vector<1x16xf32>,
      %get3A_538 = vector.shape_cast %get3A_537 : vector<1x16xf32> to vector<16xf32>
      %max3A = arith.maximumf %get3A_503, %get3A_508 : vector<16xf32>
      %max3A_539 = arith.maximumf %max3A, %get3A_513 : vector<16xf32>
      %max3A_540 = arith.maximumf %max3A_539, %get3A_518 : vector<16xf32>
      %max3A_541 = arith.maximumf %max3A_540, %get3A_523 : vector<16xf32>
      %max3A_542 = arith.maximumf %max3A_541, %get3A_528 : vector<16xf32>
      %max3A_543 = arith.maximumf %max3A_542, %get3A_533 : vector<16xf32>
      %max3A_544 = arith.maximumf %max3A_543, %get3A_538 : vector<16xf32>
      %broadcast_in_dim3A_545 = arith.constant 0.000000e+00 : f32
      %broadcast_in_dim3A_546 = vector.broadcast %broadcast_in_dim3A_545 : f32 to vector<16xf32>
      %sub3A = arith.subf %get3A_503, %max3A_544 : vector<16xf32>
      %exp3A = math.exp %sub3A : vector<16xf32>
      %add3A_547 = arith.addf %broadcast_in_dim3A_546, %exp3A : vector<16xf32>
      %sub3A_548 = arith.subf %get3A_508, %max3A_544 : vector<16xf32>
      %exp3A_549 = math.exp %sub3A_548 : vector<16xf32>
      %add3A_550 = arith.addf %add3A_547, %exp3A_549 : vector<16xf32>
      %sub3A_551 = arith.subf %get3A_513, %max3A_544 : vector<16xf32>
      %exp3A_552 = math.exp %sub3A_551 : vector<16xf32>
      %add3A_553 = arith.addf %add3A_550, %exp3A_552 : vector<16xf32>
      %sub3A_554 = arith.subf %get3A_518, %max3A_544 : vector<16xf32>
      %exp3A_555 = math.exp %sub3A_554 : vector<16xf32>
      %add3A_556 = arith.addf %add3A_553, %exp3A_555 : vector<16xf32>
      %sub3A_557 = arith.subf %get3A_523, %max3A_544 : vector<16xf32>
      %exp3A_558 = math.exp %sub3A_557 : vector<16xf32>
      %add3A_559 = arith.addf %add3A_556, %exp3A_558 : vector<16xf32>
      %sub3A_560 = arith.subf %get3A_528, %max3A_544 : vector<16xf32>
      %exp3A_561 = math.exp %sub3A_560 : vector<16xf32>
      %add3A_562 = arith.addf %add3A_559, %exp3A_561 : vector<16xf32>
      %sub3A_563 = arith.subf %get3A_533, %max3A_544 : vector<16xf32>
      %exp3A_564 = math.exp %sub3A_563 : vector<16xf32>
      %add3A_565 = arith.addf %add3A_562, %exp3A_564 : vector<16xf32>
      %sub3A_566 = arith.subf %get3A_538, %max3A_544 : vector<16xf32>
      %exp3A_567 = math.exp %sub3A_566 : vector<16xf32>
      %add3A_568 = arith.addf %add3A_565, %exp3A_567 : vector<16xf32>
      %sub3A_569 = arith.subf %get3A_503, %max3A_544 : vector<16xf32>
      %exp3A_570 = math.exp %sub3A_569 : vector<16xf32>
      %div3A = arith.divf %exp3A_570, %add3A_568 : vector<16xf32>
      %mul3A = arith.mulf %add3A_499, %div3A : vector<16xf32>
      %add3A_571 = arith.constant 9.99999997E-7 : f32
      %add3A_572 = vector.broadcast %add3A_571 : f32 to vector<16xf32>
      %add3A_573 = arith.addf %mul3A, %add3A_572 : vector<16xf32>
      %div3A_574 = arith.divf %mul3A, %add3A_573 : vector<16xf32>
      %lt3A = arith.constant 8 : i32
      %lt3A_575 = vector.broadcast %lt3A : i32 to vector<16xi32>
      %lt3A_576 = arith.cmpi slt, %iota3A, %lt3A_575 : vector<16xi32>
      %jit3A_577 = arith.constant 0.000000e+00 : f32
      %broadcast_in_dim3A_578 = vector.broadcast %jit3A_577 : f32 to vector<16xf32>
      %select_n3A_579 = arith.select %lt3A_576, %div3A_574, %broadcast_in_dim3A_578 : vector<16xi1>, vector<16xf32>
      %swap3A = arith.constant 0 : index
      %swap3A_580 = tpu.vector_load %arg6[%swap3A] {strides = array<i32>} : memref<16xf32, #tpu.memory_space<vmem>>, vector<16xf32>,
      %swap3A_581 = vector.shape_cast %swap3A_580 : vector<16xf32> to vector<16xf32>
      %swap3A_582 = vector.shape_cast %select_n3A_579 : vector<16xf32> to vector<16xf32>
      tpu.vector_store %arg6[%swap3A], %swap3A_582 {strides = array<i32>} : memref<16xf32, #tpu.memory_space<vmem>>, vector<16xf32>,
      %slice3A_583 = vector.extract_strided_slice %select_n3A_579 {offsets = [0], sizes = [1], strides = [1]} : vector<16xf32> to vector<1xf32>
      %squeeze3A_584 = vector.extract %slice3A_583[0] : f32 from vector<1xf32>
      %add3A_585 = arith.constant 0.000000e+00 : f32
      %add3A_586 = arith.addf %add3A_585, %squeeze3A_584 : f32
      %mul3A_587 = arith.mulf %squeeze3A_584, %squeeze3A_584 : f32
      %add3A_588 = arith.constant 0.000000e+00 : f32
      %add3A_589 = arith.addf %add3A_588, %mul3A_587 : f32
      %gt3A_590 = arith.constant 0.000000e+00 : f32
      %gt3A_591 = arith.cmpf ogt, %squeeze3A_584, %gt3A_590 : f32
      %jit3A_592 = arith.constant 1.000000e+00 : f32
      %jit3A_593 = arith.constant 0.000000e+00 : f32
      %select_n3A_594 = arith.select %gt3A_591, %jit3A_592, %jit3A_593 : f32
      %add3A_595 = arith.constant 0.000000e+00 : f32
      %add3A_596 = arith.addf %add3A_595, %select_n3A_594 : f32
      %slice3A_597 = vector.extract_strided_slice %select_n3A_579 {offsets = [1], sizes = [1], strides = [1]} : vector<16xf32> to vector<1xf32>
      %squeeze3A_598 = vector.extract %slice3A_597[0] : f32 from vector<1xf32>
      %add3A_599 = arith.addf %add3A_586, %squeeze3A_598 : f32
      %mul3A_600 = arith.mulf %squeeze3A_598, %squeeze3A_598 : f32
      %add3A_601 = arith.addf %add3A_589, %mul3A_600 : f32
      %gt3A_602 = arith.constant 0.000000e+00 : f32
      %gt3A_603 = arith.cmpf ogt, %squeeze3A_598, %gt3A_602 : f32
      %jit3A_604 = arith.constant 1.000000e+00 : f32
      %jit3A_605 = arith.constant 0.000000e+00 : f32
      %select_n3A_606 = arith.select %gt3A_603, %jit3A_604, %jit3A_605 : f32
      %add3A_607 = arith.addf %add3A_596, %select_n3A_606 : f32
      %slice3A_608 = vector.extract_strided_slice %select_n3A_579 {offsets = [2], sizes = [1], strides = [1]} : vector<16xf32> to vector<1xf32>
      %squeeze3A_609 = vector.extract %slice3A_608[0] : f32 from vector<1xf32>
      %add3A_610 = arith.addf %add3A_599, %squeeze3A_609 : f32
      %mul3A_611 = arith.mulf %squeeze3A_609, %squeeze3A_609 : f32
      %add3A_612 = arith.addf %add3A_601, %mul3A_611 : f32
      %gt3A_613 = arith.constant 0.000000e+00 : f32
      %gt3A_614 = arith.cmpf ogt, %squeeze3A_609, %gt3A_613 : f32
      %jit3A_615 = arith.constant 1.000000e+00 : f32
      %jit3A_616 = arith.constant 0.000000e+00 : f32
      %select_n3A_617 = arith.select %gt3A_614, %jit3A_615, %jit3A_616 : f32
      %add3A_618 = arith.addf %add3A_607, %select_n3A_617 : f32
      %slice3A_619 = vector.extract_strided_slice %select_n3A_579 {offsets = [3], sizes = [1], strides = [1]} : vector<16xf32> to vector<1xf32>
      %squeeze3A_620 = vector.extract %slice3A_619[0] : f32 from vector<1xf32>
      %add3A_621 = arith.addf %add3A_610, %squeeze3A_620 : f32
      %mul3A_622 = arith.mulf %squeeze3A_620, %squeeze3A_620 : f32
      %add3A_623 = arith.addf %add3A_612, %mul3A_622 : f32
      %gt3A_624 = arith.constant 0.000000e+00 : f32
      %gt3A_625 = arith.cmpf ogt, %squeeze3A_620, %gt3A_624 : f32
      %jit3A_626 = arith.constant 1.000000e+00 : f32
      %jit3A_627 = arith.constant 0.000000e+00 : f32
      %select_n3A_628 = arith.select %gt3A_625, %jit3A_626, %jit3A_627 : f32
      %add3A_629 = arith.addf %add3A_618, %select_n3A_628 : f32
      %slice3A_630 = vector.extract_strided_slice %select_n3A_579 {offsets = [4], sizes = [1], strides = [1]} : vector<16xf32> to vector<1xf32>
      %squeeze3A_631 = vector.extract %slice3A_630[0] : f32 from vector<1xf32>
      %add3A_632 = arith.addf %add3A_621, %squeeze3A_631 : f32
      %mul3A_633 = arith.mulf %squeeze3A_631, %squeeze3A_631 : f32
      %add3A_634 = arith.addf %add3A_623, %mul3A_633 : f32
      %gt3A_635 = arith.constant 0.000000e+00 : f32
      %gt3A_636 = arith.cmpf ogt, %squeeze3A_631, %gt3A_635 : f32
      %jit3A_637 = arith.constant 1.000000e+00 : f32
      %jit3A_638 = arith.constant 0.000000e+00 : f32
      %select_n3A_639 = arith.select %gt3A_636, %jit3A_637, %jit3A_638 : f32
      %add3A_640 = arith.addf %add3A_629, %select_n3A_639 : f32
      %slice3A_641 = vector.extract_strided_slice %select_n3A_579 {offsets = [5], sizes = [1], strides = [1]} : vector<16xf32> to vector<1xf32>
      %squeeze3A_642 = vector.extract %slice3A_641[0] : f32 from vector<1xf32>
      %add3A_643 = arith.addf %add3A_632, %squeeze3A_642 : f32
      %mul3A_644 = arith.mulf %squeeze3A_642, %squeeze3A_642 : f32
      %add3A_645 = arith.addf %add3A_634, %mul3A_644 : f32
      %gt3A_646 = arith.constant 0.000000e+00 : f32
      %gt3A_647 = arith.cmpf ogt, %squeeze3A_642, %gt3A_646 : f32
      %jit3A_648 = arith.constant 1.000000e+00 : f32
      %jit3A_649 = arith.constant 0.000000e+00 : f32
      %select_n3A_650 = arith.select %gt3A_647, %jit3A_648, %jit3A_649 : f32
      %add3A_651 = arith.addf %add3A_640, %select_n3A_650 : f32
      %slice3A_652 = vector.extract_strided_slice %select_n3A_579 {offsets = [6], sizes = [1], strides = [1]} : vector<16xf32> to vector<1xf32>
      %squeeze3A_653 = vector.extract %slice3A_652[0] : f32 from vector<1xf32>
      %add3A_654 = arith.addf %add3A_643, %squeeze3A_653 : f32
      %mul3A_655 = arith.mulf %squeeze3A_653, %squeeze3A_653 : f32
      %add3A_656 = arith.addf %add3A_645, %mul3A_655 : f32
      %gt3A_657 = arith.constant 0.000000e+00 : f32
      %gt3A_658 = arith.cmpf ogt, %squeeze3A_653, %gt3A_657 : f32
      %jit3A_659 = arith.constant 1.000000e+00 : f32
      %jit3A_660 = arith.constant 0.000000e+00 : f32
      %select_n3A_661 = arith.select %gt3A_658, %jit3A_659, %jit3A_660 : f32
      %add3A_662 = arith.addf %add3A_651, %select_n3A_661 : f32
      %slice3A_663 = vector.extract_strided_slice %select_n3A_579 {offsets = [7], sizes = [1], strides = [1]} : vector<16xf32> to vector<1xf32>
      %squeeze3A_664 = vector.extract %slice3A_663[0] : f32 from vector<1xf32>
      %add3A_665 = arith.addf %add3A_654, %squeeze3A_664 : f32
      %mul3A_666 = arith.mulf %squeeze3A_664, %squeeze3A_664 : f32
      %add3A_667 = arith.addf %add3A_656, %mul3A_666 : f32
      %gt3A_668 = arith.constant 0.000000e+00 : f32
      %gt3A_669 = arith.cmpf ogt, %squeeze3A_664, %gt3A_668 : f32
      %jit3A_670 = arith.constant 1.000000e+00 : f32
      %jit3A_671 = arith.constant 0.000000e+00 : f32
      %select_n3A_672 = arith.select %gt3A_669, %jit3A_670, %jit3A_671 : f32
      %add3A_673 = arith.addf %add3A_662, %select_n3A_672 : f32
      %broadcast_in_dim3A_674 = vector.broadcast %add3A_665 : f32 to vector<16xf32>
      %broadcast_in_dim3A_675 = vector.broadcast %add3A_667 : f32 to vector<16xf32>
      %broadcast_in_dim3A_676 = vector.broadcast %add3A_673 : f32 to vector<16xf32>
      %mul3A_677 = arith.constant 6.10351563E-5 : f32
      %mul3A_678 = vector.broadcast %mul3A_677 : f32 to vector<16xf32>
      %mul3A_679 = arith.mulf %broadcast_in_dim3A_674, %mul3A_678 : vector<16xf32>
      %mul3A_680 = arith.mulf %broadcast_in_dim3A_674, %broadcast_in_dim3A_674 : vector<16xf32>
      %mul3A_681 = arith.constant 6.10351563E-5 : f32
      %mul3A_682 = vector.broadcast %mul3A_681 : f32 to vector<16xf32>
      %mul3A_683 = arith.mulf %mul3A_680, %mul3A_682 : vector<16xf32>
      %sub3A_684 = arith.subf %broadcast_in_dim3A_675, %mul3A_683 : vector<16xf32>
      %mul3A_685 = arith.constant 6.10388815E-5 : f32
      %mul3A_686 = vector.broadcast %mul3A_685 : f32 to vector<16xf32>
      %mul3A_687 = arith.mulf %sub3A_684, %mul3A_686 : vector<16xf32>
      %mul3A_688 = arith.mulf %mul3A_679, %mul3A_679 : vector<16xf32>
      %add3A_689 = arith.constant 1.000000e-10 : f32
      %add3A_690 = vector.broadcast %add3A_689 : f32 to vector<16xf32>
      %add3A_691 = arith.addf %mul3A_688, %add3A_690 : vector<16xf32>
      %div3A_692 = arith.divf %mul3A_687, %add3A_691 : vector<16xf32>
      %mul3A_693 = arith.constant 6.10351563E-5 : f32
      %mul3A_694 = vector.broadcast %mul3A_693 : f32 to vector<16xf32>
      %mul3A_695 = arith.mulf %broadcast_in_dim3A_676, %mul3A_694 : vector<16xf32>
      %mul3A_696 = arith.mulf %broadcast_in_dim3A_676, %broadcast_in_dim3A_676 : vector<16xf32>
      %mul3A_697 = arith.constant 6.10351563E-5 : f32
      %mul3A_698 = vector.broadcast %mul3A_697 : f32 to vector<16xf32>
      %mul3A_699 = arith.mulf %mul3A_696, %mul3A_698 : vector<16xf32>
      %sub3A_700 = arith.subf %broadcast_in_dim3A_676, %mul3A_699 : vector<16xf32>
      %mul3A_701 = arith.constant 6.10388815E-5 : f32
      %mul3A_702 = vector.broadcast %mul3A_701 : f32 to vector<16xf32>
      %mul3A_703 = arith.mulf %sub3A_700, %mul3A_702 : vector<16xf32>
      %mul3A_704 = arith.mulf %mul3A_695, %mul3A_695 : vector<16xf32>
      %add3A_705 = arith.constant 1.000000e-10 : f32
      %add3A_706 = vector.broadcast %add3A_705 : f32 to vector<16xf32>
      %add3A_707 = arith.addf %mul3A_704, %add3A_706 : vector<16xf32>
      %div3A_708 = arith.divf %mul3A_703, %add3A_707 : vector<16xf32>
      %add3A_709 = arith.addf %div3A_692, %div3A_708 : vector<16xf32>
      %swap3A_710 = arith.constant 0 : index
      %swap3A_711 = tpu.vector_load %arg7[%swap3A_710] {strides = array<i32>} : memref<16xf32, #tpu.memory_space<vmem>>, vector<16xf32>,
      %swap3A_712 = vector.shape_cast %swap3A_711 : vector<16xf32> to vector<16xf32>
      %swap3A_713 = vector.shape_cast %add3A_709 : vector<16xf32> to vector<16xf32>
      tpu.vector_store %arg7[%swap3A_710], %swap3A_713 {strides = array<i32>} : memref<16xf32, #tpu.memory_space<vmem>>, vector<16xf32>,
      "tpu.region"() ({
        %run_scoped3A = tpu.sem_alloc : memref<!tpu.dma_semaphore, #tpu.memory_space<semaphore_mem>>
        tpu.enqueue_dma source(%arg6 : memref<16xf32, #tpu.memory_space<vmem>>) target(%arg3 : memref<16xf32, #tpu.memory_space<hbm>>) target_semaphore(%run_scoped3A : memref<!tpu.dma_semaphore, #tpu.memory_space<semaphore_mem>>)
        tpu.wait_dma2 semaphore(%run_scoped3A : memref<!tpu.dma_semaphore, #tpu.memory_space<semaphore_mem>>) src(%arg6 : memref<16xf32, #tpu.memory_space<vmem>>) dst(%arg3 : memref<16xf32, #tpu.memory_space<hbm>>)
        tpu.yield
      }) : () -> ()
      "tpu.region"() ({
        %run_scoped3A = tpu.sem_alloc : memref<!tpu.dma_semaphore, #tpu.memory_space<semaphore_mem>>
        tpu.enqueue_dma source(%arg7 : memref<16xf32, #tpu.memory_space<vmem>>) target(%arg4 : memref<16xf32, #tpu.memory_space<hbm>>) target_semaphore(%run_scoped3A : memref<!tpu.dma_semaphore, #tpu.memory_space<semaphore_mem>>)
        tpu.wait_dma2 semaphore(%run_scoped3A : memref<!tpu.dma_semaphore, #tpu.memory_space<semaphore_mem>>) src(%arg7 : memref<16xf32, #tpu.memory_space<vmem>>) dst(%arg4 : memref<16xf32, #tpu.memory_space<hbm>>)
        tpu.yield
      }) : () -> ()
    } else {
    }
    return
  }
}

module attributes {stable_mosaic.version = 14 : i64} {
  func.func @_finalize_body(%arg0: i32, %arg1: memref<1x2048x768xf32, #tpu.memory_space<any>>, %arg2: memref<8x768xf32, #tpu.memory_space<vmem>>, %arg3: memref<16xf32, #tpu.memory_space<vmem>>, %arg4: memref<1x8x768xf32, #tpu.memory_space<vmem>>) attributes {dimension_semantics = [#tpu.dimension_semantics<arbitrary>], iteration_bounds = array<i64: 1>, scalar_prefetch = 0 : i64, scratch_operands = 0 : i64, tpu.core_type = #tpu.core_type<tc>, window_params = [{}, {pipeline_mode = #tpu.pipeline_mode<synchronous>, transform_indices = @transform_1, window_bounds = array<i64: 8, 768>}, {pipeline_mode = #tpu.pipeline_mode<synchronous>, transform_indices = @transform_2, window_bounds = array<i64: 16>}, {transform_indices = @transform_3, window_bounds = array<i64: 1, 8, 768>}]} {
    %get3A = arith.constant 0 : index
    %get3A_0 = vector.load %arg3[%get3A] : memref<16xf32, #tpu.memory_space<vmem>>, vector<16xf32>
    %slice3A = vector.extract_strided_slice %get3A_0 {offsets = [0], sizes = [8], strides = [1]} : vector<16xf32> to vector<8xf32>
    %get3A_1 = arith.constant 0 : index
    %get3A_2 = arith.constant 0 : index
    %get3A_3 = vector.load %arg2[%get3A_1, %get3A_2] : memref<8x768xf32, #tpu.memory_space<vmem>>, vector<8x768xf32>
    %broadcast_in_dim3A = vector.shape_cast %slice3A : vector<8xf32> to vector<8x1xf32>
    %mul3A = vector.broadcast %broadcast_in_dim3A : vector<8x1xf32> to vector<8x768xf32>
    %mul3A_4 = arith.mulf %get3A_3, %mul3A : vector<8x768xf32>
    %broadcast_in_dim3A_5 = vector.shape_cast %mul3A_4 : vector<8x768xf32> to vector<1x8x768xf32>
    %swap3A = arith.constant 0 : index
    %swap3A_6 = arith.constant 0 : index
    %swap3A_7 = arith.constant 0 : index
    %swap3A_8 = vector.load %arg4[%swap3A, %swap3A_6, %swap3A_7] : memref<1x8x768xf32, #tpu.memory_space<vmem>>, vector<1x8x768xf32>
    tpu.vector_store %arg4[%swap3A, %swap3A_6, %swap3A_7], %broadcast_in_dim3A_5 {strides = array<i32>} : memref<1x8x768xf32, #tpu.memory_space<vmem>>, vector<1x8x768xf32>,
    return
  }
  func.func @transform_1(%arg0: i32) -> (i32, i32) {
    %c0_i32 = arith.constant 0 : i32
    %c0_i32_0 = arith.constant 0 : i32
    %c0_i32_1 = arith.constant 0 : i32
    return %c0_i32, %c0_i32_0 : i32, i32
  }
  func.func @transform_2(%arg0: i32) -> i32 {
    %c0_i32 = arith.constant 0 : i32
    %c0_i32_0 = arith.constant 0 : i32
    return %c0_i32 : i32
  }
  func.func @transform_3(%arg0: i32) -> (i32, i32, i32) {
    %c0_i32 = arith.constant 0 : i32
    %c0_i32_0 = arith.constant 0 : i32
    %c0_i32_1 = arith.constant 0 : i32
    %c0_i32_2 = arith.constant 0 : i32
    return %c0_i32, %c0_i32_0, %c0_i32_1 : i32, i32, i32
  }
}

module attributes {stable_mosaic.version = 14 : i64} {
  func.func @_gate_logits_body(%arg0: i32, %arg1: memref<1024x768xf32, #tpu.memory_space<vmem>>, %arg2: memref<768x8xf32, #tpu.memory_space<vmem>>, %arg3: memref<8xf32, #tpu.memory_space<vmem>>, %arg4: memref<8x1024xf32, #tpu.memory_space<vmem>>) attributes {dimension_semantics = [#tpu.dimension_semantics<arbitrary>], iteration_bounds = array<i64: 2>, scalar_prefetch = 0 : i64, scratch_operands = 0 : i64, tpu.core_type = #tpu.core_type<tc>, window_params = [{transform_indices = @transform_0, window_bounds = array<i64: 1024, 768>}, {pipeline_mode = #tpu.pipeline_mode<synchronous>, transform_indices = @transform_1, window_bounds = array<i64: 768, 8>}, {pipeline_mode = #tpu.pipeline_mode<synchronous>, transform_indices = @transform_2, window_bounds = array<i64: 8>}, {transform_indices = @transform_3, window_bounds = array<i64: 8, 1024>}]} {
    %get3A = arith.constant 0 : index
    %get3A_0 = arith.constant 0 : index
    %get3A_1 = vector.load %arg1[%get3A, %get3A_0] : memref<1024x768xf32, #tpu.memory_space<vmem>>, vector<1024x768xf32>
    %get3A_2 = arith.constant 0 : index
    %get3A_3 = arith.constant 0 : index
    %get3A_4 = vector.load %arg2[%get3A_2, %get3A_3] : memref<768x8xf32, #tpu.memory_space<vmem>>, vector<768x8xf32>
    %dot_general3A = arith.constant dense<0.000000e+00> : vector<1024x8xf32>
    %dot_general3A_5 = tpu.matmul %get3A_1, %get3A_4, %dot_general3A {dimension_numbers = #tpu.dot_dimension_numbers<[1], [0], [0], [1], [0, 0, 1, 1], [], []>, transpose_lhs_hint = false} : vector<1024x768xf32>, vector<768x8xf32>, vector<1024x8xf32> -> vector<1024x8xf32>
    %get3A_6 = arith.constant 0 : index
    %get3A_7 = vector.load %arg3[%get3A_6] : memref<8xf32, #tpu.memory_space<vmem>>, vector<8xf32>
    %broadcast_in_dim3A = vector.shape_cast %get3A_7 : vector<8xf32> to vector<1x8xf32>
    %add3A = vector.broadcast %broadcast_in_dim3A : vector<1x8xf32> to vector<1024x8xf32>
    %add3A_8 = arith.addf %dot_general3A_5, %add3A : vector<1024x8xf32>
    %transpose3A = tpu.transpose %add3A_8, [1, 0] : vector<1024x8xf32> -> vector<8x1024xf32>
    %swap3A = arith.constant 0 : index
    %swap3A_9 = arith.constant 0 : index
    %swap3A_10 = vector.load %arg4[%swap3A, %swap3A_9] : memref<8x1024xf32, #tpu.memory_space<vmem>>, vector<8x1024xf32>
    tpu.vector_store %arg4[%swap3A, %swap3A_9], %transpose3A {strides = array<i32>} : memref<8x1024xf32, #tpu.memory_space<vmem>>, vector<8x1024xf32>,
    return
  }
  func.func @transform_0(%arg0: i32) -> (i32, i32) {
    %c0_i32 = arith.constant 0 : i32
    %c0_i32_0 = arith.constant 0 : i32
    return %arg0, %c0_i32 : i32, i32
  }
  func.func @transform_1(%arg0: i32) -> (i32, i32) {
    %c0_i32 = arith.constant 0 : i32
    %c0_i32_0 = arith.constant 0 : i32
    %c0_i32_1 = arith.constant 0 : i32
    return %c0_i32, %c0_i32_0 : i32, i32
  }
  func.func @transform_2(%arg0: i32) -> i32 {
    %c0_i32 = arith.constant 0 : i32
    %c0_i32_0 = arith.constant 0 : i32
    return %c0_i32 : i32
  }
  func.func @transform_3(%arg0: i32) -> (i32, i32) {
    %c0_i32 = arith.constant 0 : i32
    %c0_i32_0 = arith.constant 0 : i32
    return %c0_i32, %arg0 : i32, i32
  }
}

module attributes {stable_mosaic.version = 14 : i64} {
  func.func @_ffn_body(%arg0: i32, %arg1: memref<8x768xf32, #tpu.memory_space<vmem>>, %arg2: memref<1x768x1536xf32, #tpu.memory_space<vmem>>, %arg3: memref<8x1536xf32, #tpu.memory_space<vmem>>, %arg4: memref<1x1536x768xf32, #tpu.memory_space<vmem>>, %arg5: memref<8x768xf32, #tpu.memory_space<vmem>>, %arg6: memref<8x768xf32, #tpu.memory_space<vmem>>, %arg7: memref<1x1024x768xf32, #tpu.memory_space<vmem>>) attributes {dimension_semantics = [#tpu.dimension_semantics<arbitrary>], iteration_bounds = array<i64: 2>, scalar_prefetch = 0 : i64, scratch_operands = 0 : i64, tpu.core_type = #tpu.core_type<tc>, window_params = [{transform_indices = @transform_0, window_bounds = array<i64: 8, 768>}, {transform_indices = @transform_1, window_bounds = array<i64: 1, 768, 1536>}, {transform_indices = @transform_2, window_bounds = array<i64: 8, 1536>}, {transform_indices = @transform_3, window_bounds = array<i64: 1, 1536, 768>}, {pipeline_mode = #tpu.pipeline_mode<synchronous>, transform_indices = @transform_4, window_bounds = array<i64: 8, 768>}, {pipeline_mode = #tpu.pipeline_mode<synchronous>, transform_indices = @transform_5, window_bounds = array<i64: 8, 768>}, {transform_indices = @transform_6, window_bounds = array<i64: 1, 1024, 768>}]} {
    %get3A = arith.constant 0 : index
    %get3A_0 = arith.constant 0 : index
    %get3A_1 = vector.load %arg1[%get3A, %get3A_0] : memref<8x768xf32, #tpu.memory_space<vmem>>, vector<8x768xf32>
    %get3A_2 = arith.constant 0 : index
    %get3A_3 = arith.constant 0 : index
    %get3A_4 = arith.constant 0 : index
    %get3A_5 = vector.load %arg2[%get3A_2, %get3A_3, %get3A_4] : memref<1x768x1536xf32, #tpu.memory_space<vmem>>, vector<1x768x1536xf32>
    %get3A_6 = vector.shape_cast %get3A_5 : vector<1x768x1536xf32> to vector<768x1536xf32>
    %dot_general3A = arith.constant dense<0.000000e+00> : vector<8x1536xf32>
    %dot_general3A_7 = tpu.matmul %get3A_1, %get3A_6, %dot_general3A {dimension_numbers = #tpu.dot_dimension_numbers<[1], [0], [0], [1], [0, 0, 1, 1], [], []>, transpose_lhs_hint = false} : vector<8x768xf32>, vector<768x1536xf32>, vector<8x1536xf32> -> vector<8x1536xf32>
    %get3A_8 = arith.constant 0 : index
    %get3A_9 = arith.constant 0 : index
    %get3A_10 = vector.load %arg3[%get3A_8, %get3A_9] : memref<8x1536xf32, #tpu.memory_space<vmem>>, vector<1x1536xf32>
    %add3A = vector.broadcast %get3A_10 : vector<1x1536xf32> to vector<8x1536xf32>
    %add3A_11 = arith.addf %dot_general3A_7, %add3A : vector<8x1536xf32>
    %integer_pow3A = arith.mulf %add3A_11, %add3A_11 : vector<8x1536xf32>
    %integer_pow3A_12 = arith.mulf %add3A_11, %integer_pow3A : vector<8x1536xf32>
    %mul3A = arith.constant 4.471500e-02 : f32
    %mul3A_13 = vector.broadcast %mul3A : f32 to vector<8x1536xf32>
    %mul3A_14 = arith.mulf %mul3A_13, %integer_pow3A_12 : vector<8x1536xf32>
    %add3A_15 = arith.addf %add3A_11, %mul3A_14 : vector<8x1536xf32>
    %mul3A_16 = arith.constant 0.797884583 : f32
    %mul3A_17 = vector.broadcast %mul3A_16 : f32 to vector<8x1536xf32>
    %mul3A_18 = arith.mulf %mul3A_17, %add3A_15 : vector<8x1536xf32>
    %tanh3A = math.tanh %mul3A_18 : vector<8x1536xf32>
    %add3A_19 = arith.constant 1.000000e+00 : f32
    %add3A_20 = vector.broadcast %add3A_19 : f32 to vector<8x1536xf32>
    %add3A_21 = arith.addf %add3A_20, %tanh3A : vector<8x1536xf32>
    %mul3A_22 = arith.constant 5.000000e-01 : f32
    %mul3A_23 = vector.broadcast %mul3A_22 : f32 to vector<8x1536xf32>
    %mul3A_24 = arith.mulf %mul3A_23, %add3A_21 : vector<8x1536xf32>
    %mul3A_25 = arith.mulf %add3A_11, %mul3A_24 : vector<8x1536xf32>
    %get3A_26 = arith.constant 0 : index
    %get3A_27 = arith.constant 0 : index
    %get3A_28 = arith.constant 0 : index
    %get3A_29 = vector.load %arg4[%get3A_26, %get3A_27, %get3A_28] : memref<1x1536x768xf32, #tpu.memory_space<vmem>>, vector<1x1536x768xf32>
    %get3A_30 = vector.shape_cast %get3A_29 : vector<1x1536x768xf32> to vector<1536x768xf32>
    %dot_general3A_31 = arith.constant dense<0.000000e+00> : vector<8x768xf32>
    %dot_general3A_32 = tpu.matmul %mul3A_25, %get3A_30, %dot_general3A_31 {dimension_numbers = #tpu.dot_dimension_numbers<[1], [0], [0], [1], [0, 0, 1, 1], [], []>, transpose_lhs_hint = false} : vector<8x1536xf32>, vector<1536x768xf32>, vector<8x768xf32> -> vector<8x768xf32>
    %eq3A = arith.constant 0 : i32
    %eq3A_33 = arith.cmpi eq, %arg0, %eq3A : i32
    %convert_element_type3A = arith.extui %eq3A_33 : i1 to i32
    %cond3A = arith.constant 0 : i32
    %cond3A_34 = arith.cmpi ne, %convert_element_type3A, %cond3A : i32
    scf.if %cond3A_34 {
      %swap3A_48 = arith.constant 0 : index
      %swap3A_49 = arith.constant 0 : index
      %swap3A_50 = vector.load %arg6[%swap3A_48, %swap3A_49] : memref<8x768xf32, #tpu.memory_space<vmem>>, vector<8x768xf32>
      tpu.vector_store %arg6[%swap3A_48, %swap3A_49], %dot_general3A_32 {strides = array<i32>} : memref<8x768xf32, #tpu.memory_space<vmem>>, vector<8x768xf32>,
    } else {
    }
    %gt3A = arith.constant 0 : i32
    %gt3A_35 = arith.cmpi sgt, %arg0, %gt3A : i32
    %convert_element_type3A_36 = arith.extui %gt3A_35 : i1 to i32
    %cond3A_37 = arith.constant 0 : i32
    %cond3A_38 = arith.cmpi ne, %convert_element_type3A_36, %cond3A_37 : i32
    scf.if %cond3A_38 {
      %get3A_48 = arith.constant 0 : index
      %get3A_49 = arith.constant 0 : index
      %get3A_50 = vector.load %arg6[%get3A_48, %get3A_49] : memref<8x768xf32, #tpu.memory_space<vmem>>, vector<8x768xf32>
      %add3A_51 = arith.addf %get3A_50, %dot_general3A_32 : vector<8x768xf32>
      %swap3A_52 = arith.constant 0 : index
      %swap3A_53 = arith.constant 0 : index
      %swap3A_54 = vector.load %arg6[%swap3A_52, %swap3A_53] : memref<8x768xf32, #tpu.memory_space<vmem>>, vector<8x768xf32>
      tpu.vector_store %arg6[%swap3A_52, %swap3A_53], %add3A_51 {strides = array<i32>} : memref<8x768xf32, #tpu.memory_space<vmem>>, vector<8x768xf32>,
    } else {
    }
    %eq3A_39 = arith.constant 1 : i32
    %eq3A_40 = arith.cmpi eq, %arg0, %eq3A_39 : i32
    %convert_element_type3A_41 = arith.extui %eq3A_40 : i1 to i32
    %cond3A_42 = arith.constant 0 : i32
    %cond3A_43 = arith.cmpi ne, %convert_element_type3A_41, %cond3A_42 : i32
    scf.if %cond3A_43 {
      %get3A_48 = arith.constant 0 : index
      %get3A_49 = arith.constant 0 : index
      %get3A_50 = vector.load %arg6[%get3A_48, %get3A_49] : memref<8x768xf32, #tpu.memory_space<vmem>>, vector<8x768xf32>
      %get3A_51 = arith.constant 0 : index
      %get3A_52 = arith.constant 0 : index
      %get3A_53 = vector.load %arg5[%get3A_51, %get3A_52] : memref<8x768xf32, #tpu.memory_space<vmem>>, vector<1x768xf32>
      %add3A_54 = vector.broadcast %get3A_53 : vector<1x768xf32> to vector<8x768xf32>
      %add3A_55 = arith.addf %get3A_50, %add3A_54 : vector<8x768xf32>
      %swap3A_56 = arith.constant 0 : index
      %swap3A_57 = arith.constant 0 : index
      %swap3A_58 = vector.load %arg6[%swap3A_56, %swap3A_57] : memref<8x768xf32, #tpu.memory_space<vmem>>, vector<8x768xf32>
      tpu.vector_store %arg6[%swap3A_56, %swap3A_57], %add3A_55 {strides = array<i32>} : memref<8x768xf32, #tpu.memory_space<vmem>>, vector<8x768xf32>,
    } else {
    }
    %broadcast_in_dim3A = arith.constant 0.000000e+00 : f32
    %broadcast_in_dim3A_44 = vector.broadcast %broadcast_in_dim3A : f32 to vector<1x1024x768xf32>
    %swap3A = arith.constant 0 : index
    %swap3A_45 = arith.constant 0 : index
    %swap3A_46 = arith.constant 0 : index
    %swap3A_47 = vector.load %arg7[%swap3A, %swap3A_45, %swap3A_46] : memref<1x1024x768xf32, #tpu.memory_space<vmem>>, vector<1x1024x768xf32>
    tpu.vector_store %arg7[%swap3A, %swap3A_45, %swap3A_46], %broadcast_in_dim3A_44 {strides = array<i32>} : memref<1x1024x768xf32, #tpu.memory_space<vmem>>, vector<1x1024x768xf32>,
    return
  }
  func.func @transform_0(%arg0: i32) -> (i32, i32) {
    %c0_i32 = arith.constant 0 : i32
    %c0_i32_0 = arith.constant 0 : i32
    %c0_i32_1 = arith.constant 0 : i32
    return %c0_i32, %c0_i32_0 : i32, i32
  }
  func.func @transform_1(%arg0: i32) -> (i32, i32, i32) {
    %c0_i32 = arith.constant 0 : i32
    %c0_i32_0 = arith.constant 0 : i32
    %c0_i32_1 = arith.constant 0 : i32
    return %c0_i32, %c0_i32_0, %arg0 : i32, i32, i32
  }
  func.func @transform_2(%arg0: i32) -> (i32, i32) {
    %c0_i32 = arith.constant 0 : i32
    %c0_i32_0 = arith.constant 0 : i32
    return %c0_i32, %arg0 : i32, i32
  }
  func.func @transform_3(%arg0: i32) -> (i32, i32, i32) {
    %c0_i32 = arith.constant 0 : i32
    %c0_i32_0 = arith.constant 0 : i32
    %c0_i32_1 = arith.constant 0 : i32
    return %c0_i32, %arg0, %c0_i32_0 : i32, i32, i32
  }
  func.func @transform_4(%arg0: i32) -> (i32, i32) {
    %c0_i32 = arith.constant 0 : i32
    %c0_i32_0 = arith.constant 0 : i32
    %c0_i32_1 = arith.constant 0 : i32
    return %c0_i32, %c0_i32_0 : i32, i32
  }
  func.func @transform_5(%arg0: i32) -> (i32, i32) {
    %c0_i32 = arith.constant 0 : i32
    %c0_i32_0 = arith.constant 0 : i32
    %c0_i32_1 = arith.constant 0 : i32
    return %c0_i32, %c0_i32_0 : i32, i32
  }
  func.func @transform_6(%arg0: i32) -> (i32, i32, i32) {
    %c0_i32 = arith.constant 0 : i32
    %c0_i32_0 = arith.constant 0 : i32
    %c0_i32_1 = arith.constant 0 : i32
    return %c0_i32, %arg0, %c0_i32_0 : i32, i32, i32
  }
}

</mosaic_0001>

<sc_bundles>
// kernel: kernel.6.cloned.1.call-start
scs
__scs_entry_jumppad:
0x0: {  	(pc) =	sbr.rel $0x88, $3  }
0x1: {  	(tag) =	ssettag $0x0;
	lr =	simm.s32 $0x1  }
0x2: {  	[smem:$0x3F9A] =	sst lr;
	_ =	strace $0xD0000000  }
0x3: {  	_ = 	snop  }
0x4: {  	_ = 	snop  }
0x5: {  	_ = 	snop  }
0x6: {  	_ = 	snop  }
0x7: {  	_ = 	snop  }
__scs_overlays_trampoline_lowered:
0x8: {  	[smem:$0x3FA9] =	sst s0  }
0x9: {  	[smem:$0x3FAA] =	sst s1  }
0xa: {  	[smem:$0x3FAB] =	sst s2  }
0xb: {  	[smem:$0x3FAC] =	sst s3  }
0xc: {  	[smem:$0x3FAD] =	sst s4  }
0xd: {  	[smem:$0x3FAE] =	sst s5  }
0xe: {  	[smem:$0x3FAF] =	sst s6  }
0xf: {  	[smem:$0x3FB0] =	sst s7  }
0x10: {  	[smem:$0x3FB1] =	sst s8  }
0x11: {  	[smem:$0x3FB2] =	sst s9;
	s0 =	simm.s32 @!p0 $0x0  }
0x12: {  	s1 =	sld [smem:$0x3F98];
	s0 =	simm.s32 @p0 $0x1  }
0x13: {  	[smem:$0x3FB3] =	sst s0;
	s0 =	simm.s32 @!p1 $0x0  }
0x14: {  	s2 =	sld [smem:$0x3F97];
	s0 =	simm.s32 @p1 $0x1  }
0x15: {  	[smem:$0x3FB4] =	sst s0;
	s0 =	simm.s32 @!p2 $0x0  }
0x16: {  	s3 =	sld [smem:$0x3FDB];
	s0 =	simm.s32 @p2 $0x1  }
0x17: {  	s4 =	simm.s32 $0x1BF5;
	[smem:$0x3FB6] =	sst s0  }
0x18: {  	s0 =	sld [smem:$0x3F99];
	_ =	swait.ge [sflag:s4], $0x0  }
0x19: {  	s7 =	sld [smem:$0x3F9A]  }
0x1a: {  	s8 =	sadd.s32 $0xFFFFE003, lr  }
0x1b: {  	s9 =	sadd.s32 $0xFFFFFEF7, lr;
	s5 =	simm.s32 $0xFFFFFFFF;
	p2 =	slt.u32 s8, $0xFFFFF086  }
0x1c: {  	p1 =	slt.u32 s9, $0xF7A;
	s5 =	simm.s32 @!p2 $0x0  }
0x1d: {  	s5 =	simm.s32 @p1 $0x1;
	p0 =	seq.s32 s7, s2  }
0x1e: {  	s7 =	smul.u32 @!p0 $0xF7A, s2;
	p2 =	seq.s32 @!p0 s5, $0x0  }
0x1f: {  	s9 =	smul.u32 $0xF7A, s1;
	s8 =	simm.s32 @!p0 $0x1BF5;
	p2 =	por !p2, p0  }
0x20: {  	[sflag:s8] =	ssyncset.s32 @!p0 $0xFFFFF086;
	s6 =	sadd.s32 @!p0 s3, s7;
	s7 =	simm.s32 @!p0 $0x108  }
0x21: {  	s3 =	sadd.s32 s3, s9;
	s6 =	sadd.s32 @!p0 $0x88, s6;
	s7 =	simm.s32 @p2 $0x1082  }
0x22: {  	[simem:s7], [sflag:s8] =	dma.local @!p0 [hbm:s6], $0xF7A  }
0x23: {  	s9 =	sor.u32 $0xD0000000, s2;
	s6 =	simm.s32 $0x108;
	_ =	swait.ge @!p0 [sflag:s8], $0x0  }
0x24: {  	s3 =	sadd.s32 $0x88, s3;
	s6 =	simm.s32 @!p1 $0x1082;
	[sflag:s4] =	ssyncset.s32 $0xFFFFF086  }
0x25: {  	[simem:s6], [sflag:s4] =	dma.local [hbm:s3], $0xF7A  }
0x26: {  	[smem:$0x3F9A] =	sst s1;
	(tag) =	ssettag s2;
	_ =	strace s9  }
0x27: {  	s1 =	sld [smem:$0x3FAA]  }
0x28: {  	s2 =	sld [smem:$0x3FAB]  }
0x29: {  	s4 =	sld [smem:$0x3FAD]  }
0x2a: {  	p0 =	seq.s32 s5, $0x0;
	s5 =	sld [smem:$0x3FAE]  }
0x2b: {  	s6 =	sld [smem:$0x3FAF]  }
0x2c: {  	s7 =	sld [smem:$0x3FB0]  }
0x2d: {  	s3 =	simm.s32 $0x108;
	s8 =	sld [smem:$0x3FB1]  }
0x2e: {  	s3 =	simm.s32 @!p0 $0x1082;
	s9 =	sld [smem:$0x3FB2]  }
0x2f: {  	lr =	sadd.s32 s0, s3;
	s0 =	sld [smem:$0x3FA9]  }
0x30: {  	s3 =	sld [smem:$0x3FAC]  }
0x31: {  	[smem:$0x3FB5] =	sst s10  }
0x32: {  	s10 =	sld [smem:$0x3FB3];
	_ =	sdelay $0x3  }
0x33: {  	p0 =	seq.s32 s10, $0x1;
	s10 =	sld [smem:$0x3FB5];
	_ =	sdelay $0x3  }
0x34: {  	[smem:$0x3FB5] =	sst s10  }
0x35: {  	s10 =	sld [smem:$0x3FB4];
	_ =	sdelay $0x3  }
0x36: {  	p1 =	seq.s32 s10, $0x1;
	s10 =	sld [smem:$0x3FB5];
	_ =	sdelay $0x3  }
0x37: {  	[smem:$0x3FB5] =	sst s10  }
0x38: {  	s10 =	sld [smem:$0x3FB6]  }
0x39: {  	_ = 	snop;
	(pc) =	sbr.ind lr, $3  }
0x3a: {  	_ = 	snop  }
0x3b: {  	_ = 	snop  }
0x3c: {  	p2 =	seq.s32 s10, $0x1;
	s10 =	sld [smem:$0x3FB5]  }
0x3d: {  	_ =	shalt  }
0x3e: {  	_ =	shalt  }
0x3f: {  	_ =	shalt  }
0x40: {  	_ =	shalt  }
0x41: {  	_ =	shalt  }
0x42: {  	_ =	shalt  }
0x43: {  	_ =	shalt  }
0x44: {  	_ =	shalt  }
0x45: {  	_ =	shalt  }
0x46: {  	_ =	shalt  }
0x47: {  	_ =	shalt  }
0x48: {  	_ =	shalt  }
0x49: {  	_ =	shalt  }
0x4a: {  	_ =	shalt  }
0x4b: {  	_ =	shalt  }
0x4c: {  	_ =	shalt  }
0x4d: {  	_ =	shalt  }
0x4e: {  	_ =	shalt  }
0x4f: {  	_ =	shalt  }
0x50: {  	_ =	shalt  }
0x51: {  	_ =	shalt  }
0x52: {  	_ =	shalt  }
0x53: {  	_ =	shalt  }
0x54: {  	_ =	shalt  }
0x55: {  	_ =	shalt  }
0x56: {  	_ =	shalt  }
0x57: {  	_ =	shalt  }
0x58: {  	_ =	shalt  }
0x59: {  	_ =	shalt  }
0x5a: {  	_ =	shalt  }
0x5b: {  	_ =	shalt  }
0x5c: {  	_ =	shalt  }
0x5d: {  	_ =	shalt  }
0x5e: {  	_ =	shalt  }
0x5f: {  	_ =	shalt  }
0x60: {  	_ =	shalt  }
0x61: {  	_ =	shalt  }
0x62: {  	_ =	shalt  }
0x63: {  	_ =	shalt  }
0x64: {  	_ =	shalt  }
0x65: {  	_ =	shalt  }
0x66: {  	_ =	shalt  }
0x67: {  	_ =	shalt  }
0x68: {  	_ =	shalt  }
0x69: {  	_ =	shalt  }
0x6a: {  	_ =	shalt  }
0x6b: {  	_ =	shalt  }
0x6c: {  	_ =	shalt  }
0x6d: {  	_ =	shalt  }
0x6e: {  	_ =	shalt  }
0x6f: {  	_ =	shalt  }
0x70: {  	_ =	shalt  }
0x71: {  	_ =	shalt  }
0x72: {  	_ =	shalt  }
0x73: {  	_ =	shalt  }
0x74: {  	_ =	shalt  }
0x75: {  	_ =	shalt  }
0x76: {  	_ =	shalt  }
0x77: {  	_ =	shalt  }
0x78: {  	_ =	shalt  }
0x79: {  	_ =	shalt  }
0x7a: {  	_ =	shalt  }
0x7b: {  	_ =	shalt  }
0x7c: {  	_ =	shalt  }
0x7d: {  	_ =	shalt  }
0x7e: {  	_ =	shalt  }
0x7f: {  	_ =	shalt  }
0x80: {  	_ =	shalt  }
0x81: {  	_ =	shalt  }
0x82: {  	_ =	shalt  }
0x83: {  	_ =	shalt  }
0x84: {  	_ =	shalt  }
0x85: {  	_ =	shalt  }
0x86: {  	_ =	shalt  }
0x87: {  	_ =	shalt  }
.Lfunc_end0:
.L_simem_size_0:
called_computation_lowered:
.L_overlay_start_0:
0x88: {  	s0 =	sld [smem:$0x3FD9]  }
0x89: {  	s1 =	sld [smem:$0x3FFE];
	_ =	sdelay $0x3  }
0x8a: {  	s0 =	sadd.s32 s1, s0  }
0x8b: {  	[smem:$0x3FC1] =	sst s0  }
0x8c: {  	_ = 	snop  }
0x8d: {  	s0 =	sld [smem:$0x3FD0];
	_ =	sdelay $0x2  }
0x8e: {  	s13 =	simm.s32 $0xA;
	s2 =	simm.s32 $0x10  }
0x8f: {  	[smem:s2], [sflag:s13] =	dma.local [hbm:s0], $0x1  }
0x90: {  	_ =	swait.eq [sflag:s13], $0x1  }
0x91: {  	[sflag:s13] =	ssyncset.done $0x0  }
0x92: {  	[sflag:s13] =	ssyncadd.s32 $0xFFFFFFFF  }
0x93: {  	s14 =	sld [smem:$0x11];
	(tm) =	ssettm $0x1  }
0x94: {  	s15 =	sld [smem:$0x3FFB];
	_ =	sdelay $0x3  }
0x95: {  	_ =	strace s15  }
0x96: {  	s1 =	sld [smem:$0x3FFC];
	_ =	sdelay $0x3  }
0x97: {  	_ =	strace s1  }
0x98: {  	s1 =	sld [smem:$0x3FFD];
	_ =	sdelay $0x3  }
0x99: {  	_ =	strace s1  }
0x9a: {  	_ =	strace $0x8FFFFFFF  }
0x9b: {  	s16 =	sld [smem:$0x3FDB];
	_ =	sdelay $0x1  }
0x9c: {  	s17 =	simm.s32 $_scs_section_size  }
0x9d: {  	s3 =	simm.s32 $_size__tile_overlayer_lowered;
	s4 =	simm.s32 $_tile_overlayer_lowered  }
0x9e: {  	s20 =	simm.s32 $0x1BFF;
	s19 =	sshll.u32 s4, $0x1;
	s1 =	sadd.s32 s17, s16  }
0x9f: {  	s5 =	simm.s32 $0x0;
	s18 =	sshll.u32 s3, $0x1;
	s3 =	sadd.s32 s19, s1  }
0xa0: {  	[timem:s5], [sflag:s20] =	dma.local [hbm:s3], s18  }
0xa1: {  	_ =	swait.ge [sflag:s20], s18  }
0xa2: {  	s2 =	ssub.s32 $0x0, s18;
	[sflag:s20] =	ssyncset.done $0x0  }
0xa3: {  	[sflag:s20] =	ssyncadd.s32 s2;
	_ =	sdelay $0x1  }
0xa4: {  	s21 =	simm.s32 $0x1B8B  }
0xa5: {  	_ =	swait.ge [sflag:s21], $0x1  }
0xa6: {  	[sflag:s21] =	ssyncset.done $0x0  }
0xa7: {  	s23 =	simm.s32 $0x1B8E;
	s22 =	sld [smem:$0x3FFE];
	[sflag:s21] =	ssyncadd.s32 $0xFFFFFFFF  }
0xa8: {  	s24 =	simm.s32 $execute0_lowered;
	[smem:$0x3FD2] =	sst s23  }
0xa9: {  	s3 =	sshll.u32 s24, $0x1;
	_ =	strace $0x80000046;
	[dreg:$0x1] =	wrdreg $0xFFFFFFFF  }
0xaa: {  	s25 =	simm.s32 $_size_execute0_lowered;
	s1 =	sadd.s32 s1, s3;
	[dreg:$0x0] =	wrdreg $0x0  }
0xab: {  	s3 =	sshll.u32 s25, $0x1;
	[dreg:$0x2] =	wrdreg s1  }
0xac: {  	[dreg:$0x3] =	wrdreg s3  }
0xad: {  	[dreg:$0x4] =	wrdreg $0xC0  }
0xae: {  	_ =	task [dreg:s5], $0x5FFFF  }
0xaf: {  	[dreg:$0x1] =	wrdreg $0xFFFFFFFF  }
0xb0: {  	[dreg:$0x0] =	wrdreg $0x60  }
0xb1: {  	[dreg:$0x2] =	wrdreg s22  }
0xb2: {  	[dreg:$0x3] =	wrdreg s14  }
0xb3: {  	[dreg:$0x4] =	wrdreg $0x9  }
0xb4: {  	_ =	task.clear_ibuf [dreg:s5], $0x5FFFF;
	_ =	strace $0x90000046  }
0xb5: {  	s26 =	simm.s32 $0x9;
	_ =	strace $0x80000048  }
0xb6: {  	_ =	swait.ge [sflag:s26], $0x1  }
0xb7: {  	[sflag:s26] =	ssyncadd.s32 $0xFFFFFFFF  }
0xb8: {  	_ =	strace $0x90000048  }
0xb9: {  	_ =	sfence  }
0xba: {  	s28 =	sld [smem:$0x0];
	_ =	sdelay $0x1  }
0xbb: {  	s29 =	srdreg.scid  }
0xbc: {  	s30 =	sshll.u32 s29, $0xD;
	s31 =	sshrl.u32 s29, $0x2  }
0xbd: {  	s2 =	sand.u32 $0x4000, s30;
	s1 =	sand.u32 $0x1, s29;
	s0 =	sadd.s32 s31, s28  }
0xbe: {  	s1 =	sor.u32 s2, s1;
	s0 =	sshll.u32 s0, $0x11  }
0xbf: {  	s0 =	sor.u32 s0, s1  }
0xc0: {  	s0 =	sadd.s32 $0x8F2B, s0  }
0xc1: {  	[sflag:s0] =	ssyncadd.remote.s32 $0x1  }
0xc2: {  	_ =	sfence.sel $0xFFFF  }
0xc3: {  	[dreg:$0x0] =	wrdreg $0xFFFFFFFF;
	(pc) =	sbr.abs _section_cstart, $3  }
0xc4: {  	[dreg:$0x1] =	wrdreg $0xFFFFFFFF  }
0xc5: {  	_ =	task.clear_ibuf [dreg:s5], $0x2FFFF;
	_ =	strace $0x9FFFFFFF  }
0xc6: {  	(tm) =	ssettm $0x7FFFFFFF  }
0xc7: {  	_ =	shalt  }
tec
execute0_lowered:
.L_overlay_start_1:
0x0: {  	(tag) =	ssettag $0x1  }
0x1: {  	s2 =	rddreg [dreg:$0x0]  }
0x2: {  	s1 =	rddreg [dreg:$0x1];
	s3 =	stileid.u32  }
0x3: {  	s0 =	rddreg [dreg:$0x2];
	_ =	strace $0x80000047;
	p0 =	sne.s32 s3, $0x0  }
0x4: {  	_ =	sfence.sel @p0 $0x180000  }
0x5: {  	[bflag:$0x0] =	sbarrier.arrive @p0 $0xFFFF  }
0x6: {  	_ =	strace @p0 $0x90000047  }
0x7: {  	[bflag:$0x2] =	sbarrier.arrive @p0 $0xFFFF  }
0x8: {  	_ =	shalt @p0  }
.LBB2_1:
0x9: {  	s3 =	sadd.s32 $0x1800, s2;
	s4 =	simm.s32 $0x0;
	s21 =	simm.s32 $0x1  }
0xa: {  	[tilespmem:s4], [sflag:$0x1] =	stream.linear.gather [hbm4b:s3+s4], $0x4000, $0x38;
	[tilespmem:$0x4100] =	vst v63  }
0xb: {  	_ =	swait.ge [sflag:s21], $0x4000  }
0xc: {  	s5 =	sand.u32 $0x70, s4;
	s6 =	sand.u32 $0x3C00, s4;
	[sflag:s21] =	ssyncset.done $0x0  }
0xd: {  	s22 =	sor.u32 s5, s6;
	[sflag:s21] =	ssyncadd.s32 $0xFFFFC000  }
0xe: {  	v1 =	vld [tilespmem:s22+$0x0]  }
0xf: {  	v2 =	vld [tilespmem:s22+$0x80]  }
0x10: {  	v3 =	vld [tilespmem:s22+$0x100]  }
0x11: {  	s4 =	sand.u32 $0x7, s4;
	v4 =	vld [tilespmem:s22+$0x180]  }
0x12: {  	s4 =	sshll.u32 s4, $0x4;
	v5 =	vld [tilespmem:s22+$0x200]  }
0x13: {  	s4 =	sadd.s32 $0x0, s4;
	v6 =	vld [tilespmem:s22+$0x280]  }
0x14: {  	s24 =	simm.s32 $0x10;
	s25 =	simm.s32 $0x80;
	s23 =	sor.u32 $0x380, s4;
	v8 =	vld [tilespmem:s22+$0x300];
	v0 =	vmax.f32 v1, v2  }
0x15: {  	s3 =	sand.u32 $0x70, s24;
	s4 =	sand.u32 $0x3C00, s25;
	v9 =	vld [tilespmem:s23+$0x0];
	v0 =	vmax.f32 v0, v3  }
0x16: {  	s26 =	sor.u32 s3, s4;
	v0 =	vmax.f32 v0, v4  }
0x17: {  	v7 =	vld [tilespmem:s26+$0x0];
	v0 =	vmax.f32 v0, v5  }
0x18: {  	v21 =	vld [tilespmem:s26+$0x80];
	v0 =	vmax.f32 v0, v6  }
0x19: {  	v19 =	vld [tilespmem:s26+$0x100];
	v0 =	vmax.f32 v0, v8  }
0x1a: {  	v15 =	vld [tilespmem:s26+$0x180];
	v10 =	vmax.f32 v0, v9  }
0x1b: {  	v12 =	vld [tilespmem:s26+$0x200];
	v0 =	vimm.f32 $0.0e+00;
	vm0 =	vge.f32 v1, v10;
	vm1 =	vge.f32 v2, v10  }
0x1c: {  	s3 =	simm.s32 $0x1;
	vm2 =	vge.f32 v9, v10;
	vm3 =	vge.f32 v3, v10;
	vm5 =	vge.f32 v6, v10;
	v6 =	vld [tilespmem:s26+$0x280]  }
0x1d: {  	s28 =	sand.u32 $0x7, s3;
	vm4 =	vge.f32 v4, v10;
	vm14 =	vge.f32 v5, v10;
	v4 =	vmax.f32 v7, v21  }
0x1e: {  	s4 =	sshll.u32 s28, $0x4;
	vm15 =	vge.f32 v8, v10;
	v1 =	vsel vm2, $0x3F800000, v0;
	v4 =	vmax.f32 v4, v19  }
0x1f: {  	s7 =	sadd.s32 $0x80, s4;
	v2 =	vsel vm0, $0x3F800000, v0;
	v3 =	vsel vm1, $0x3F800000, v0;
	v4 =	vmax.f32 v4, v15  }
0x20: {  	s30 =	sor.u32 $0x380, s7;
	v23 =	vadd.f32 v2, v0;
	v22 =	vadd.f32 v3, v0;
	v3 =	vld [tilespmem:s26+$0x300];
	v2 =	vmax.f32 v4, v12  }
0x21: {  	v5 =	vsel vm3, $0x3F800000, v0;
	v10 =	vsel vm4, $0x3F800000, v0;
	v9 =	vmax.f32 v2, v6;
	v2 =	vld [tilespmem:s30+$0x0]  }
0x22: {  	s29 =	simm.s32 $0x20;
	s4 =	simm.s32 $0x100;
	v11 =	vsel vm14, $0x3F800000, v0;
	v13 =	vsel vm5, $0x3F800000, v0;
	v1 =	vadd.f32 v1, v0  }
0x23: {  	s6 =	sand.u32 $0x70, s29;
	s31 =	sand.u32 $0x3C00, s4;
	v8 =	vsel vm15, $0x3F800000, v0;
	v20 =	vadd.f32 v5, v0;
	v17 =	vadd.f32 v10, v0  }
0x24: {  	s2 =	sadd.s32 $0x2000, s2;
	s5 =	simm.s32 $0x30;
	s6 =	sor.u32 s6, s31;
	v14 =	vadd.f32 v11, v0;
	v10 =	vimm.f32 $0.0e+00;
	v4 =	vimm.f32 $0.0e+00  }
.LBB2_2:
0x25: {  	p0 =	sne.s32 s5, $0x7F0;
	v5 =	vld [tilespmem:s6+$0x0];
	v9 =	vmax.f32 v9, v3;
	v10 =	vadd.f32 v13, v10;
	v4 =	vadd.f32 v8, v4  }
0x26: {  	v8 =	vld [tilespmem:s6+$0x80];
	v9 =	vmax.f32 v9, v2  }
0x27: {  	s3 =	sadd.s32 $0x1, s3;
	v11 =	vld [tilespmem:s6+$0x100];
	vm0 =	vge.f32 v7, v9;
	vm1 =	vge.f32 v21, v9;
	vm2 =	vge.f32 v2, v9  }
0x28: {  	s7 =	sand.u32 $0x7, s3;
	vm3 =	vge.f32 v19, v9;
	vm4 =	vge.f32 v15, v9;
	v15 =	vld [tilespmem:s6+$0x180];
	v2 =	vsel vm2, $0x3F800000, v0  }
0x29: {  	s7 =	sshll.u32 s7, $0x4;
	vm5 =	vge.f32 v6, v9;
	vm2 =	vge.f32 v12, v9;
	v12 =	vld [tilespmem:s6+$0x200];
	v1 =	vadd.f32 v2, v1  }
0x2a: {  	s7 =	sadd.s32 s7, s4;
	v16 =	vsel vm0, $0x3F800000, v0;
	v18 =	vsel vm1, $0x3F800000, v0;
	vm0 =	vge.f32 v3, v9;
	v6 =	vld [tilespmem:s6+$0x280];
	v7 =	vmovc v5  }
.Ltmp0:
0x2b: {  	v9 =	vsel vm3, $0x3F800000, v0;
	v24 =	vsel vm4, $0x3F800000, v0;
	v3 =	vld [tilespmem:s6+$0x300];
	s6 =	sor.u32 $0x380, s7;
	v5 =	vmax.f32 v7, v8;
	v21 =	vmovc v8;
	(pc) =	sbr.rel @p0 .LBB2_2-.Ltmp0, $4  }
0x2c: {  	v13 =	vsel vm5, $0x3F800000, v0;
	v25 =	vsel vm2, $0x3F800000, v0;
	v2 =	vld [tilespmem:s6+$0x0];
	v5 =	vmax.f32 v5, v11;
	v19 =	vmovc v11  }
0x2d: {  	s4 =	sadd.s32 $0x80, s4;
	v23 =	vadd.f32 v16, v23;
	v8 =	vsel vm0, $0x3F800000, v0;
	v5 =	vmax.f32 v5, v15  }
0x2e: {  	v22 =	vadd.f32 v18, v22;
	v20 =	vadd.f32 v9, v20;
	s7 =	sand.u32 $0x3C00, s4;
	s6 =	sand.u32 $0x70, s5;
	v5 =	vmax.f32 v5, v12  }
0x2f: {  	v17 =	vadd.f32 v24, v17;
	v14 =	vadd.f32 v25, v14;
	s5 =	sadd.s32 $0x10, s5;
	s6 =	sor.u32 s6, s7;
	v9 =	vmax.f32 v5, v6  }
0x30: {  	v24 =	vld [tilespmem:s6+$0x0]  }
0x31: {  	v25 =	vld [tilespmem:s6+$0x80]  }
0x32: {  	v26 =	vld [tilespmem:s6+$0x100];
	s3 =	sadd.s32 $0x1, s3  }
0x33: {  	v27 =	vld [tilespmem:s6+$0x180];
	s3 =	sand.u32 $0x7, s3  }
0x34: {  	v18 =	vld [tilespmem:s6+$0x200];
	s3 =	sshll.u32 s3, $0x4  }
0x35: {  	v16 =	vld [tilespmem:s6+$0x280];
	s3 =	sadd.s32 s3, s4  }
0x36: {  	v11 =	vld [tilespmem:s6+$0x300];
	s3 =	sor.u32 $0x380, s3;
	v28 =	vmax.f32 v24, v25  }
0x37: {  	v5 =	vld [tilespmem:s3+$0x0];
	v28 =	vmax.f32 v28, v26  }
0x38: {  	v28 =	vmax.f32 v28, v27  }
0x39: {  	v9 =	vmax.f32 v9, v3;
	v28 =	vmax.f32 v28, v18  }
0x3a: {  	v9 =	vmax.f32 v9, v2;
	v28 =	vmax.f32 v28, v16  }
0x3b: {  	vm0 =	vge.f32 v7, v9;
	v58 =	vmax.f32 v28, v11  }
0x3c: {  	v59 =	vsel vm0, $0x3F800000, v0;
	v7 =	vmax.f32 v58, v5  }
0x3d: {  	v23 =	vadd.f32 v59, v23;
	vm5 =	vge.f32 v24, v7  }
0x3e: {  	v24 =	vsel vm5, $0x3F800000, v0  }
0x3f: {  	v23 =	vadd.f32 v24, v23;
	_ =	sdelay $0x1  }
0x40: {  	(v2sf) =	vpush v23, $0x0  }
0x41: {  	(v2sf) =	vpush v23, $0x1  }
0x42: {  	(v2sf) =	vpush v23, $0x2  }
0x43: {  	(v2sf) =	vpush v23, $0x3  }
0x44: {  	(v2sf) =	vpush v23, $0x4  }
0x45: {  	(v2sf) =	vpush v23, $0x5  }
0x46: {  	(v2sf) =	vpush v23, $0x6  }
0x47: {  	(v2sf) =	vpush v23, $0x7  }
0x48: {  	(v2sf) =	vpush v23, $0x8  }
0x49: {  	(v2sf) =	vpush v23, $0x9  }
0x4a: {  	vm6 =	vge.f32 v21, v9;
	(v2sf) =	vpush v23, $0xA  }
0x4b: {  	v21 =	vsel vm6, $0x3F800000, v0;
	(v2sf) =	vpush v23, $0xB  }
0x4c: {  	v21 =	vadd.f32 v21, v22;
	vm7 =	vge.f32 v25, v7;
	(v2sf) =	vpush v23, $0xC  }
0x4d: {  	v60 =	vsel vm7, $0x3F800000, v0;
	(v2sf) =	vpush v23, $0xD  }
0x4e: {  	v21 =	vadd.f32 v60, v21;
	(v2sf) =	vpush v23, $0xE  }
0x4f: {  	(v2sf) =	vpush v23, $0xF;
	s14 =	spop (v2sf)  }
0x50: {  	s15 =	spop (v2sf);
	(v2sf) =	vpush v21, $0x0  }
0x51: {  	s16 =	spop (v2sf);
	(v2sf) =	vpush v21, $0x1  }
0x52: {  	s17 =	spop (v2sf);
	(v2sf) =	vpush v21, $0x2  }
0x53: {  	s18 =	spop (v2sf);
	(v2sf) =	vpush v21, $0x3  }
0x54: {  	s13 =	spop (v2sf);
	(v2sf) =	vpush v21, $0x4  }
0x55: {  	s12 =	spop (v2sf);
	(v2sf) =	vpush v21, $0x5  }
0x56: {  	s11 =	spop (v2sf);
	(v2sf) =	vpush v21, $0x6  }
0x57: {  	s10 =	spop (v2sf);
	(v2sf) =	vpush v21, $0x7  }
0x58: {  	s9 =	spop (v2sf);
	(v2sf) =	vpush v21, $0x8  }
0x59: {  	s8 =	spop (v2sf);
	(v2sf) =	vpush v21, $0x9  }
0x5a: {  	vm8 =	vge.f32 v19, v9;
	s7 =	spop (v2sf);
	(v2sf) =	vpush v21, $0xA  }
0x5b: {  	v19 =	vsel vm8, $0x3F800000, v0;
	s6 =	spop (v2sf);
	(v2sf) =	vpush v21, $0xB  }
0x5c: {  	v19 =	vadd.f32 v19, v20;
	vm9 =	vge.f32 v26, v7;
	s5 =	spop (v2sf);
	(v2sf) =	vpush v21, $0xC  }
0x5d: {  	v61 =	vsel vm9, $0x3F800000, v0;
	s4 =	spop (v2sf);
	(v2sf) =	vpush v21, $0xD  }
0x5e: {  	v19 =	vadd.f32 v61, v19;
	s3 =	spop (v2sf);
	(v2sf) =	vpush v21, $0xE  }
0x5f: {  	s19 =	spop (v2sf);
	(v2sf) =	vpush v21, $0xF  }
0x60: {  	s20 =	spop (v2sf);
	(v2sf) =	vpush v19, $0x0  }
0x61: {  	s21 =	spop (v2sf);
	(v2sf) =	vpush v19, $0x1  }
0x62: {  	s22 =	spop (v2sf);
	(v2sf) =	vpush v19, $0x2  }
0x63: {  	s23 =	spop (v2sf);
	(v2sf) =	vpush v19, $0x3  }
0x64: {  	s14 =	sadd.f32 s15, s14;
	s15 =	spop (v2sf);
	(v2sf) =	vpush v19, $0x4  }
0x65: {  	s24 =	spop (v2sf);
	(v2sf) =	vpush v19, $0x5  }
0x66: {  	s14 =	sadd.f32 s14, s16;
	s25 =	spop (v2sf);
	(v2sf) =	vpush v19, $0x6  }
0x67: {  	s30 =	sadd.f32 s20, s19;
	s26 =	spop (v2sf);
	(v2sf) =	vpush v19, $0x7  }
0x68: {  	s14 =	sadd.f32 s14, s17;
	s28 =	spop (v2sf);
	(v2sf) =	vpush v19, $0x8  }
0x69: {  	s16 =	sadd.f32 s30, s21;
	s21 =	spop (v2sf);
	(v2sf) =	vpush v19, $0x9  }
0x6a: {  	vm10 =	vge.f32 v15, v9;
	s14 =	sadd.f32 s14, s18;
	s29 =	spop (v2sf);
	(v2sf) =	vpush v19, $0xA  }
0x6b: {  	v15 =	vsel vm10, $0x3F800000, v0;
	s16 =	sadd.f32 s16, s22;
	s22 =	spop (v2sf);
	(v2sf) =	vpush v19, $0xB  }
0x6c: {  	v15 =	vadd.f32 v15, v17;
	vm11 =	vge.f32 v27, v7;
	s13 =	sadd.f32 s14, s13;
	s20 =	spop (v2sf);
	(v2sf) =	vpush v19, $0xC  }
0x6d: {  	v62 =	vsel vm11, $0x3F800000, v0;
	s31 =	sadd.f32 s16, s23;
	s18 =	spop (v2sf);
	(v2sf) =	vpush v19, $0xD  }
0x6e: {  	v15 =	vadd.f32 v62, v15;
	s12 =	sadd.f32 s13, s12;
	s16 =	spop (v2sf);
	(v2sf) =	vpush v19, $0xE  }
0x6f: {  	s15 =	sadd.f32 s31, s15;
	s23 =	spop (v2sf);
	(v2sf) =	vpush v19, $0xF  }
0x70: {  	s11 =	sadd.f32 s12, s11;
	s30 =	spop (v2sf);
	(v2sf) =	vpush v15, $0x0  }
0x71: {  	s17 =	sadd.f32 s15, s24;
	s24 =	spop (v2sf);
	(v2sf) =	vpush v15, $0x1  }
0x72: {  	s10 =	sadd.f32 s11, s10;
	s19 =	spop (v2sf);
	(v2sf) =	vpush v15, $0x2  }
0x73: {  	s25 =	sadd.f32 s17, s25;
	s17 =	spop (v2sf);
	(v2sf) =	vpush v15, $0x3  }
0x74: {  	s9 =	sadd.f32 s10, s9;
	s15 =	spop (v2sf);
	(v2sf) =	vpush v15, $0x4  }
0x75: {  	s31 =	sadd.f32 s25, s26;
	s14 =	spop (v2sf);
	(v2sf) =	vpush v15, $0x5  }
0x76: {  	s8 =	sadd.f32 s9, s8;
	s13 =	spop (v2sf);
	(v2sf) =	vpush v15, $0x6  }
0x77: {  	s10 =	sadd.f32 s31, s28;
	s12 =	spop (v2sf);
	(v2sf) =	vpush v15, $0x7  }
0x78: {  	s7 =	sadd.f32 s8, s7;
	s11 =	spop (v2sf);
	(v2sf) =	vpush v15, $0x8  }
0x79: {  	s21 =	sadd.f32 s10, s21;
	s10 =	spop (v2sf);
	(v2sf) =	vpush v15, $0x9  }
0x7a: {  	vm12 =	vge.f32 v12, v9;
	s6 =	sadd.f32 s7, s6;
	s9 =	spop (v2sf);
	(v2sf) =	vpush v15, $0xA  }
0x7b: {  	v12 =	vsel vm12, $0x3F800000, v0;
	s21 =	sadd.f32 s21, s29;
	s8 =	spop (v2sf);
	(v2sf) =	vpush v15, $0xB  }
0x7c: {  	v12 =	vadd.f32 v12, v14;
	vm13 =	vge.f32 v18, v7;
	s5 =	sadd.f32 s6, s5;
	s7 =	spop (v2sf);
	(v2sf) =	vpush v15, $0xC  }
0x7d: {  	v63 =	vsel vm13, $0x3F800000, v0;
	s21 =	sadd.f32 s21, s22;
	s6 =	spop (v2sf);
	(v2sf) =	vpush v15, $0xD  }
0x7e: {  	v12 =	vadd.f32 v63, v12;
	s4 =	sadd.f32 s5, s4;
	s5 =	spop (v2sf);
	(v2sf) =	vpush v15, $0xE  }
0x7f: {  	s20 =	sadd.f32 s21, s20;
	s22 =	spop (v2sf);
	(v2sf) =	vpush v15, $0xF  }
0x80: {  	s4 =	sadd.f32 s4, s3;
	s31 =	spop (v2sf);
	(v2sf) =	vpush v12, $0x0  }
0x81: {  	s20 =	sadd.f32 s20, s18;
	s25 =	spop (v2sf);
	(v2sf) =	vpush v12, $0x1  }
0x82: {  	s26 =	sadd.f32 s30, s23;
	s28 =	spop (v2sf);
	(v2sf) =	vpush v12, $0x2  }
0x83: {  	s3 =	sadd.f32 s20, s16;
	s29 =	spop (v2sf);
	(v2sf) =	vpush v12, $0x3  }
0x84: {  	s20 =	sadd.f32 s26, s24;
	s24 =	spop (v2sf);
	(v2sf) =	vpush v12, $0x4  }
0x85: {  	s21 =	sadd.f32 s31, s22;
	s30 =	spop (v2sf);
	(v2sf) =	vpush v12, $0x5  }
0x86: {  	s19 =	sadd.f32 s20, s19;
	s31 =	spop (v2sf);
	(v2sf) =	vpush v12, $0x6  }
0x87: {  	s18 =	sadd.f32 s21, s25;
	s21 =	spop (v2sf);
	(v2sf) =	vpush v12, $0x7  }
0x88: {  	s17 =	sadd.f32 s19, s17;
	s25 =	spop (v2sf);
	(v2sf) =	vpush v12, $0x8  }
0x89: {  	s18 =	sadd.f32 s18, s28;
	s23 =	spop (v2sf);
	(v2sf) =	vpush v12, $0x9  }
0x8a: {  	v10 =	vadd.f32 v13, v10;
	vm14 =	vge.f32 v6, v9;
	s15 =	sadd.f32 s17, s15;
	s26 =	spop (v2sf);
	(v2sf) =	vpush v12, $0xA  }
0x8b: {  	v6 =	vsel vm14, $0x3F800000, v0;
	s16 =	sadd.f32 s18, s29;
	s28 =	spop (v2sf);
	(v2sf) =	vpush v12, $0xB  }
0x8c: {  	v6 =	vadd.f32 v6, v10;
	vm15 =	vge.f32 v16, v7;
	s14 =	sadd.f32 s15, s14;
	s29 =	spop (v2sf);
	(v2sf) =	vpush v12, $0xC  }
0x8d: {  	v13 =	vsel vm15, $0x3F800000, v0;
	s16 =	sadd.f32 s16, s24;
	s24 =	spop (v2sf);
	(v2sf) =	vpush v12, $0xD  }
0x8e: {  	v6 =	vadd.f32 v13, v6;
	s13 =	sadd.f32 s14, s13;
	s18 =	spop (v2sf);
	(v2sf) =	vpush v12, $0xE  }
0x8f: {  	s17 =	sadd.f32 s16, s30;
	s22 =	spop (v2sf);
	(v2sf) =	vpush v12, $0xF  }
0x90: {  	s12 =	sadd.f32 s13, s12;
	s30 =	spop (v2sf);
	(v2sf) =	vpush v6, $0x0  }
0x91: {  	s19 =	sadd.f32 s17, s31;
	s20 =	spop (v2sf);
	(v2sf) =	vpush v6, $0x1  }
0x92: {  	s11 =	sadd.f32 s12, s11;
	s31 =	spop (v2sf);
	(v2sf) =	vpush v6, $0x2  }
0x93: {  	s21 =	sadd.f32 s19, s21;
	s19 =	spop (v2sf);
	(v2sf) =	vpush v6, $0x3  }
0x94: {  	s10 =	sadd.f32 s11, s10;
	s17 =	spop (v2sf);
	(v2sf) =	vpush v6, $0x4  }
0x95: {  	s25 =	sadd.f32 s21, s25;
	s16 =	spop (v2sf);
	(v2sf) =	vpush v6, $0x5  }
0x96: {  	s9 =	sadd.f32 s10, s9;
	s15 =	spop (v2sf);
	(v2sf) =	vpush v6, $0x6  }
0x97: {  	s12 =	sadd.f32 s25, s23;
	s14 =	spop (v2sf);
	(v2sf) =	vpush v6, $0x7  }
0x98: {  	s8 =	sadd.f32 s9, s8;
	s13 =	spop (v2sf);
	(v2sf) =	vpush v6, $0x8  }
0x99: {  	s21 =	sadd.f32 s12, s26;
	s12 =	spop (v2sf);
	(v2sf) =	vpush v6, $0x9  }
0x9a: {  	v4 =	vadd.f32 v8, v4;
	vm4 =	vge.f32 v3, v9;
	s22 =	sadd.f32 s30, s22;
	s11 =	spop (v2sf);
	(v2sf) =	vpush v6, $0xA  }
0x9b: {  	v3 =	vsel vm4, $0x3F800000, v0;
	s7 =	sadd.f32 s8, s7;
	s10 =	spop (v2sf);
	(v2sf) =	vpush v6, $0xB  }
0x9c: {  	v3 =	vadd.f32 v3, v4;
	vm5 =	vge.f32 v11, v7;
	s20 =	sadd.f32 s22, s20;
	s9 =	spop (v2sf);
	(v2sf) =	vpush v6, $0xC  }
0x9d: {  	v14 =	vsel vm5, $0x3F800000, v0;
	s6 =	sadd.f32 s7, s6;
	s8 =	spop (v2sf);
	(v2sf) =	vpush v6, $0xD  }
0x9e: {  	v3 =	vadd.f32 v14, v3;
	s23 =	sadd.f32 s21, s28;
	s7 =	spop (v2sf);
	(v2sf) =	vpush v6, $0xE  }
0x9f: {  	s20 =	sadd.f32 s20, s31;
	s28 =	spop (v2sf);
	(v2sf) =	vpush v6, $0xF  }
0xa0: {  	s25 =	sadd.f32 s23, s29;
	s29 =	spop (v2sf);
	(v2sf) =	vpush v3, $0x0  }
0xa1: {  	s5 =	sadd.f32 s6, s5;
	s30 =	spop (v2sf);
	(v2sf) =	vpush v3, $0x1  }
0xa2: {  	s26 =	sadd.f32 s25, s24;
	s24 =	spop (v2sf);
	(v2sf) =	vpush v3, $0x2  }
0xa3: {  	s21 =	sadd.f32 s29, s28;
	s25 =	spop (v2sf);
	(v2sf) =	vpush v3, $0x3  }
0xa4: {  	s6 =	sadd.f32 s26, s18;
	s26 =	spop (v2sf);
	(v2sf) =	vpush v3, $0x4  }
0xa5: {  	s18 =	sadd.f32 s21, s30;
	s28 =	spop (v2sf);
	(v2sf) =	vpush v3, $0x5  }
0xa6: {  	s19 =	sadd.f32 s20, s19;
	s29 =	spop (v2sf);
	(v2sf) =	vpush v3, $0x6  }
0xa7: {  	s18 =	sadd.f32 s18, s24;
	s22 =	spop (v2sf);
	(v2sf) =	vpush v3, $0x7  }
0xa8: {  	s17 =	sadd.f32 s19, s17;
	s19 =	spop (v2sf);
	(v2sf) =	vpush v3, $0x8  }
0xa9: {  	s18 =	sadd.f32 s18, s25;
	s23 =	spop (v2sf);
	(v2sf) =	vpush v3, $0x9  }
0xaa: {  	s16 =	sadd.f32 s17, s16;
	s25 =	spop (v2sf);
	(v2sf) =	vpush v3, $0xA  }
0xab: {  	vm6 =	vge.f32 v2, v9;
	s30 =	sadd.f32 s18, s26;
	s24 =	spop (v2sf)  }
0xac: {  	v2 =	vsel vm6, $0x3F800000, v0;
	s15 =	sadd.f32 s16, s15;
	(v2sf) =	vpush v3, $0xB;
	s26 =	spop (v2sf)  }
0xad: {  	v1 =	vadd.f32 v2, v1;
	vm7 =	vge.f32 v5, v7;
	s31 =	sadd.f32 s30, s28;
	(v2sf) =	vpush v3, $0xC;
	s21 =	spop (v2sf)  }
0xae: {  	v15 =	vsel vm7, $0x3F800000, v0;
	s14 =	sadd.f32 s15, s14;
	(v2sf) =	vpush v3, $0xD;
	s28 =	spop (v2sf)  }
0xaf: {  	v17 =	vld [tilespmem:$0x80];
	v0 =	vadd.f32 v15, v1;
	s16 =	sadd.f32 s31, s29;
	(v2sf) =	vpush v3, $0xE;
	s20 =	spop (v2sf)  }
0xb0: {  	v16 =	vld [tilespmem:$0x0];
	s13 =	sadd.f32 s14, s13;
	(v2sf) =	vpush v3, $0xF;
	s29 =	spop (v2sf)  }
0xb1: {  	v18 =	vld [tilespmem:$0x100];
	s17 =	sadd.f32 s16, s22;
	(v2sf) =	vpush v0, $0x0;
	s22 =	spop (v2sf)  }
0xb2: {  	v19 =	vld [tilespmem:$0x180];
	s12 =	sadd.f32 s13, s12;
	(v2sf) =	vpush v0, $0x1;
	s30 =	spop (v2sf)  }
0xb3: {  	v20 =	vld [tilespmem:$0x200];
	s18 =	sadd.f32 s17, s19;
	s19 =	spop (v2sf)  }
0xb4: {  	v21 =	vld [tilespmem:$0x280];
	s11 =	sadd.f32 s12, s11;
	(v2sf) =	vpush v0, $0x2;
	s31 =	spop (v2sf)  }
0xb5: {  	v22 =	vld [tilespmem:$0x300];
	v23 =	vmax.f32 v16, v17;
	s23 =	sadd.f32 s18, s23;
	s18 =	spop (v2sf)  }
0xb6: {  	v24 =	vld [tilespmem:$0x380];
	v8 =	vmax.f32 v23, v18;
	(v2sf) =	vpush v0, $0x3;
	s17 =	spop (v2sf)  }
0xb7: {  	v8 =	vmax.f32 v8, v19;
	s10 =	sadd.f32 s11, s10;
	s16 =	spop (v2sf)  }
0xb8: {  	v8 =	vmax.f32 v8, v20;
	(v2sf) =	vpush v0, $0x4;
	s25 =	sadd.f32 s23, s25;
	s15 =	spop (v2sf)  }
0xb9: {  	v8 =	vmax.f32 v8, v21;
	s9 =	sadd.f32 s10, s9;
	s14 =	spop (v2sf);
	(v2sf) =	vpush v0, $0x5  }
0xba: {  	v8 =	vmax.f32 v8, v22;
	s12 =	sadd.f32 s25, s24  }
0xbb: {  	v8 =	vmax.f32 v8, v24;
	s20 =	sadd.f32 s29, s20;
	s13 =	spop (v2sf);
	(v2sf) =	vpush v0, $0x6  }
0xbc: {  	v1 =	vsub.f32 v16, v8;
	s23 =	sadd.f32 s12, s26;
	s12 =	spop (v2sf)  }
0xbd: {  	s8 =	sadd.f32 s9, s8;
	(v2sf) =	vpush v0, $0x7;
	s11 =	spop (v2sf)  }
0xbe: {  	v1 =	vmul.f32 $1.442695020e+00, v1;
	s20 =	sadd.f32 s20, s22;
	s9 =	spop (v2sf)  }
0xbf: {  	v2 =	vsub.f32 v17, v8;
	s8 =	sadd.f32 s8, s7;
	(v2sf) =	vpush v0, $0x8;
	s7 =	spop (v2sf)  }
0xc0: {  	(erf) = vpow2.f32 v1;
	s20 =	sadd.f32 s20, s30;
	s24 =	spop (v2sf)  }
0xc1: {  	v26 =	vsub.f32 v18, v8;
	v25 =	vmul.f32 $1.442695020e+00, v2;
	s10 =	sadd.f32 s23, s21;
	s25 =	spop (v2sf)  }
0xc2: {  	(v2sf) =	vpush v0, $0x9;
	s21 =	sadd.f32 s25, s24  }
0xc3: {  	v28 =	vsub.f32 v19, v8;
	v27 =	vmul.f32 $1.442695020e+00, v26;
	(erf) = vpow2.f32 v25;
	s19 =	sadd.f32 s20, s19;
	s26 =	spop (v2sf)  }
0xc4: {  	(v2sf) =	vpush v0, $0xA;
	s21 =	sadd.f32 s21, s26  }
0xc5: {  	v30 =	vsub.f32 v20, v8;
	v29 =	vmul.f32 $1.442695020e+00, v28;
	(erf) = vpow2.f32 v27;
	s10 =	sadd.f32 s10, s28;
	s28 =	spop (v2sf)  }
0xc6: {  	(v2sf) =	vpush v0, $0xB;
	s20 =	sadd.f32 s21, s28  }
0xc7: {  	v32 =	vsub.f32 v21, v8;
	v31 =	vmul.f32 $1.442695020e+00, v30;
	(erf) = vpow2.f32 v29;
	s19 =	sadd.f32 s19, s31;
	s29 =	spop (v2sf)  }
0xc8: {  	s20 =	sadd.f32 s20, s29;
	s30 =	spop (v2sf);
	(v2sf) =	vpush v0, $0xC  }
0xc9: {  	v35 =	vsub.f32 v22, v8;
	v34 =	vmul.f32 $1.442695020e+00, v32;
	v33 =	vpop (erf);
	(erf) = vpow2.f32 v31;
	s18 =	sadd.f32 s19, s18  }
0xca: {  	v38 =	vsub.f32 v24, v8;
	s31 =	sadd.f32 s20, s30;
	s19 =	spop (v2sf);
	(v2sf) =	vpush v0, $0xD  }
0xcb: {  	v37 =	vmul.f32 $1.442695020e+00, v35;
	v36 =	vadd.f32 $0.0e+00, v33;
	(erf) = vpow2.f32 v34;
	s17 =	sadd.f32 s18, s17  }
0xcc: {  	v39 =	vpop (erf);
	s22 =	spop (v2sf);
	(v2sf) =	vpush v0, $0xE;
	s20 =	sadd.f32 s31, s19  }
0xcd: {  	v40 =	vmul.f32 $1.442695020e+00, v38;
	p1 =	sgt.f32 s3, $0.0e+00;
	(erf) = vpow2.f32 v37;
	v4 =	vadd.f32 v36, v39;
	s21 =	sadd.f32 s17, s16  }
0xce: {  	v41 =	vpop (erf);
	s23 =	spop (v2sf);
	(v2sf) =	vpush v0, $0xF;
	s3 =	sadd.f32 s20, s22  }
0xcf: {  	p0 =	sgt.f32 s4, $0.0e+00;
	(erf) = vpow2.f32 v40;
	s4 =	sadd.f32 s21, s15;
	v0 =	vadd.f32 v4, v41  }
0xd0: {  	v42 =	vpop (erf);
	s3 =	sadd.f32 s3, s23  }
0xd1: {  	s4 =	sadd.f32 s4, s14;
	s24 =	spop (v2sf);
	v0 =	vadd.f32 v0, v42  }
0xd2: {  	v43 =	vpop (erf);
	p2 =	sgt.f32 s5, $0.0e+00;
	s3 =	sadd.f32 s3, s24  }
0xd3: {  	s5 =	simm.f32 $1.000000000e+00;
	s4 =	sadd.f32 s4, s13;
	s25 =	spop (v2sf);
	v0 =	vadd.f32 v0, v43  }
0xd4: {  	v44 =	vpop (erf);
	s5 =	simm.s32 @!p0 $0x0;
	s3 =	sadd.f32 s3, s25  }
0xd5: {  	s13 =	simm.f32 $1.000000000e+00;
	s4 =	sadd.f32 s4, s12;
	s26 =	spop (v2sf);
	v0 =	vadd.f32 v0, v44  }
0xd6: {  	vm1 =	vcmask $0x704;
	vm8 =	vcmask $0x300;
	v47 =	vpop (erf);
	p3 =	sgt.f32 s6, $0.0e+00;
	s13 =	simm.s32 @!p1 $0x0;
	s3 =	sadd.f32 s3, s26  }
0xd7: {  	v45 =	vmov s5;
	s6 =	simm.f32 $1.000000000e+00;
	v46 =	vmov s13;
	s4 =	sadd.f32 s4, s11;
	v0 =	vadd.f32 v0, v47;
	s28 =	spop (v2sf)  }
0xd8: {  	vm9 =	vcmask $0xB08;
	v49 =	vpop (erf);
	v2 =	vnsel vm8, $0x0, v45;
	s6 =	simm.s32 @!p2 $0x0;
	v1 =	vnsel vm1, $0x0, v46;
	s3 =	sadd.f32 s3, s28  }
0xd9: {  	s5 =	simm.f32 $1.000000000e+00;
	v48 =	vmov s6;
	v1 =	vadd.f32 v1, v2;
	s4 =	sadd.f32 s4, s9;
	v0 =	vadd.f32 v0, v49;
	s29 =	spop (v2sf)  }
0xda: {  	vm10 =	vcmask $0xF0C;
	s5 =	simm.s32 @!p3 $0x0;
	p0 =	sgt.f32 s8, $0.0e+00;
	v2 =	vnsel vm9, $0x0, v48;
	s3 =	sadd.f32 s3, s29  }
0xdb: {  	v50 =	vmov s5;
	s5 =	simm.f32 $1.000000000e+00;
	v1 =	vadd.f32 v2, v1;
	s4 =	sadd.f32 s4, s7;
	(erf) = vrcp.f32 v0;
	s30 =	spop (v2sf)  }
0xdc: {  	v51 =	vnsel vm10, $0x0, v50;
	s5 =	simm.s32 @!p0 $0x0;
	p1 =	sgt.f32 s10, $0.0e+00;
	s3 =	sadd.f32 s3, s30  }
0xdd: {  	vm11 =	vcmask $0x1310;
	v52 =	vmov s5;
	s7 =	simm.f32 $1.000000000e+00;
	v0 =	vadd.f32 v51, v1;
	s31 =	spop (v2sf)  }
0xde: {  	s7 =	simm.s32 @!p1 $0x0;
	p0 =	sgt.f32 s4, $0.0e+00;
	v1 =	vnsel vm11, $0x0, v52;
	s3 =	sadd.f32 s3, s31  }
0xdf: {  	vm12 =	vcmask $0x1714;
	v53 =	vmov s7;
	s4 =	simm.f32 $1.000000000e+00;
	v0 =	vadd.f32 v1, v0  }
0xe0: {  	s4 =	simm.s32 @!p0 $0x0;
	v1 =	vnsel vm12, $0x0, v53;
	p0 =	sgt.f32 s3, $0.0e+00  }
0xe1: {  	vm13 =	vcmask $0x1B18;
	v54 =	vmov s4;
	v0 =	vadd.f32 v1, v0;
	s3 =	simm.f32 $1.000000000e+00  }
0xe2: {  	v1 =	vnsel vm13, $0x0, v54;
	s3 =	simm.s32 @!p0 $0x0  }
0xe3: {  	vm14 =	vcmask $0x1F1C;
	v0 =	vadd.f32 v1, v0;
	v55 =	vmov s3  }
0xe4: {  	v56 =	vpop (erf);
	v1 =	vnsel vm14, $0x0, v55  }
0xe5: {  	v57 =	vmul.f32 v56, v33;
	v0 =	vadd.f32 v1, v0;
	_ =	sdelay $0x1  }
0xe6: {  	v0 =	vmul.f32 v57, v0;
	_ =	sdelay $0x1  }
0xe7: {  	v1 =	vadd.f32 $9.999999970e-07, v0;
	_ =	sdelay $0x1  }
0xe8: {  	(erf) = vrcp.f32 v1;
	_ =	sdelay $0x8  }
0xe9: {  	v1 =	vpop (erf)  }
0xea: {  	v0 =	vmul.f32 v1, v0;
	_ =	sdelay $0x1  }
0xeb: {  	(v2sf) =	vpush v0, $0x0;
	_ =	sdelay $0x2  }
0xec: {  	(v2sf) =	vpush v0, $0x1;
	_ =	sdelay $0x1  }
0xed: {  	(v2sf) =	vpush v0, $0x2;
	_ =	sdelay $0x1  }
0xee: {  	(v2sf) =	vpush v0, $0x3;
	_ =	sdelay $0x1  }
0xef: {  	(v2sf) =	vpush v0, $0x4;
	_ =	sdelay $0x1  }
0xf0: {  	(v2sf) =	vpush v0, $0x5;
	_ =	sdelay $0x1  }
0xf1: {  	(v2sf) =	vpush v0, $0x6;
	_ =	sdelay $0x1  }
0xf2: {  	s5 =	spop (v2sf);
	(v2sf) =	vpush v0, $0x7;
	_ =	sdelay $0x2  }
0xf3: {  	s8 =	spop (v2sf);
	p0 =	sgt.f32 s5, $0.0e+00  }
0xf4: {  	s7 =	simm.f32 $1.000000000e+00;
	s13 =	sadd.f32 $0.0e+00, s5;
	p1 =	sgt.f32 s8, $0.0e+00  }
0xf5: {  	s9 =	simm.f32 $1.000000000e+00;
	s11 =	spop (v2sf);
	s7 =	simm.s32 @!p0 $0x0  }
0xf6: {  	s6 =	sadd.f32 s13, s8;
	p0 =	sgt.f32 s11, $0.0e+00;
	s9 =	simm.s32 @!p1 $0x0  }
0xf7: {  	s10 =	simm.f32 $1.000000000e+00;
	s14 =	spop (v2sf);
	s7 =	sadd.f32 s9, s7  }
0xf8: {  	s6 =	sadd.f32 s6, s11;
	s10 =	simm.s32 @!p0 $0x0;
	p0 =	sgt.f32 s14, $0.0e+00  }
0xf9: {  	s15 =	spop (v2sf);
	s7 =	sadd.f32 s7, s10;
	s10 =	simm.f32 $1.000000000e+00  }
0xfa: {  	s6 =	sadd.f32 s6, s14;
	s10 =	simm.s32 @!p0 $0x0;
	p0 =	sgt.f32 s15, $0.0e+00  }
0xfb: {  	s12 =	simm.f32 $1.000000000e+00;
	s16 =	spop (v2sf);
	s7 =	sadd.f32 s7, s10  }
0xfc: {  	s6 =	sadd.f32 s6, s15;
	s12 =	simm.s32 @!p0 $0x0;
	p0 =	sgt.f32 s16, $0.0e+00  }
0xfd: {  	s17 =	spop (v2sf);
	s7 =	sadd.f32 s7, s12;
	s12 =	simm.f32 $1.000000000e+00  }
0xfe: {  	s6 =	sadd.f32 s6, s16;
	s12 =	simm.s32 @!p0 $0x0;
	p0 =	sgt.f32 s17, $0.0e+00  }
0xff: {  	s7 =	sadd.f32 s7, s12;
	s12 =	simm.f32 $1.000000000e+00;
	s18 =	spop (v2sf)  }
0x100: {  	s6 =	sadd.f32 s6, s17;
	s12 =	simm.s32 @!p0 $0x0;
	p0 =	sgt.f32 s18, $0.0e+00  }
0x101: {  	s3 =	smul.f32 s5, s5;
	s7 =	sadd.f32 s7, s12;
	s12 =	simm.f32 $1.000000000e+00  }
0x102: {  	s4 =	smul.f32 s8, s8;
	s6 =	sadd.f32 s6, s18;
	s12 =	simm.s32 @!p0 $0x0  }
0x103: {  	s7 =	sadd.f32 s7, s12  }
0x104: {  	s19 =	smul.f32 s11, s11;
	s3 =	sadd.f32 s4, s3;
	v58 =	vmov s6  }
0x105: {  	v1 =	vmul.f32 $6.103515630e-05, v58;
	v59 =	vmov s7  }
0x106: {  	s20 =	smul.f32 s14, s14;
	s3 =	sadd.f32 s3, s19;
	v2 =	vmul.f32 $6.103515630e-05, v59  }
0x107: {  	v1 =	vmul.f32 v1, v1  }
0x108: {  	s21 =	smul.f32 s15, s15;
	s3 =	sadd.f32 s3, s20;
	v2 =	vmul.f32 v2, v2  }
0x109: {  	v1 =	vadd.f32 $1.000000010e-10, v1  }
0x10a: {  	s22 =	smul.f32 s16, s16;
	s3 =	sadd.f32 s3, s21;
	v2 =	vadd.f32 $1.000000010e-10, v2  }
0x10b: {  	s23 =	smul.f32 s17, s17;
	v1 =	vbroadcast v1, $0x0  }
0x10c: {  	s3 =	sadd.f32 s3, s22;
	s24 =	smul.f32 s6, s6;
	v2 =	vbroadcast v2, $0x0  }
0x10d: {  	s25 =	smul.f32 s7, s7;
	(erf) = vrcp.f32 v1  }
0x10e: {  	s3 =	sadd.f32 s3, s23;
	s26 =	smul.f32 s18, s18;
	(erf) = vrcp.f32 v2  }
0x10f: {  	v60 =	vmov s24;
	v61 =	vmov s25  }
0x110: {  	s3 =	sadd.f32 s3, s26;
	v1 =	vmul.f32 $6.103515630e-05, v60;
	v2 =	vmul.f32 $6.103515630e-05, v61;
	_ =	sdelay $0x1  }
0x111: {  	v1 =	vsub.f32 s3, v1;
	v2 =	vsub.f32 s7, v2;
	_ =	sdelay $0x1  }
0x112: {  	v1 =	vmul.f32 $6.103888150e-05, v1;
	v2 =	vmul.f32 $6.103888150e-05, v2;
	_ =	sdelay $0x1  }
0x113: {  	v1 =	vbroadcast v1, $0x0;
	v62 =	vpop (erf);
	v2 =	vbroadcast v2, $0x0  }
0x114: {  	v63 =	vpop (erf)  }
0x115: {  	v1 =	vmul.f32 v62, v1;
	v2 =	vmul.f32 v63, v2  }
0x116: {  	vm15 =	vmmov $0xff  }
0x117: {  	v0 =	vnsel vm15, $0x0, v0;
	v1 =	vadd.f32 v2, v1  }
0x118: {  	[tilespmem:$0x4000] =	vst v0  }
0x119: {  	s28 =	simm.s32 $0x0;
	s29 =	simm.s32 $0x4000;
	s30 =	simm.s32 $0x1;
	[tilespmem:$0x4080] =	vst v1  }
0x11a: {  	[hbm4b:s2+s28] =	stream.linear.scatter [tilespmem:s29], [sflag:$0x1], $0x80, $0x38;
	[tilespmem:$0x4100] =	vst v63  }
0x11b: {  	_ =	swait.ge [sflag:s30], $0x80  }
0x11c: {  	[sflag:s30] =	ssyncset.done $0x0  }
0x11d: {  	s31 =	simm.s32 $0x4080;
	[sflag:s30] =	ssyncadd.s32 $0xFFFFFF80  }
0x11e: {  	[hbm4b:s1+s28] =	stream.linear.scatter [tilespmem:s31], [sflag:$0x1], $0x80, $0x38;
	[tilespmem:$0x4100] =	vst v63  }
0x11f: {  	_ =	swait.ge [sflag:s30], $0x80  }
0x120: {  	[sflag:s30] =	ssyncset.done $0x0  }
0x121: {  	[sflag:s30] =	ssyncadd.s32 $0xFFFFFF80  }
0x122: {  	_ =	sfence.sel $0x180000  }
0x123: {  	[bflag:$0x0] =	sbarrier.arrive $0xFFFF  }
0x124: {  	_ =	strace $0x90000047  }
0x125: {  	s0 =	sadd.s32 $0x100000, s0;
	[bflag:$0x2] =	sbarrier.arrive $0xFFFF  }
0x126: {  	[sflag:s0] =	ssyncadd.tile.s32 $0x1;
	_ =	shalt  }
.Lfunc_end2:
_tile_overlayer_lowered:
.L_overlay_start_2:
0x127: {  	(tag) =	ssettag $0x2  }
0x128: {  	s0 =	rddreg [dreg:$0x0];
	s2 =	stileid.u32  }
0x129: {  	s1 =	rddreg [dreg:$0x1];
	p0 =	sne.s32 s2, $0x0  }
0x12a: {  	s3 =	rddreg [dreg:$0x2];
	[bflag:$0x3] =	sbarrier.arrive $0xFFFF;
	s2 =	simm.s32 @!p0 $0x1C01  }
0x12b: {  	[timem:s3], [sflag:s2] =	dma.local @!p0 [hbm:s0], s1  }
0x12c: {  	s0 =	simm.s32 @!p0 $0x1  }
0x12d: {  	_ =	swait.ge @!p0 [sflag:s0], s1  }
0x12e: {  	s1 =	ssub.s32 @!p0 $0x0, s1;
	[sflag:s0] =	ssyncset.done @!p0 $0x0  }
0x12f: {  	[sflag:s0] =	ssyncadd.s32 @!p0 s1  }
0x130: {  	[bflag:$0x3] =	sbarrier.arrive $0xFFFF  }
0x131: {  	_ =	shalt  }

</sc_bundles>
